<compile_context>
chip_gen: v7x
topology: tpu7x:2x2x1
jax: 0.10.2.dev20260603
libtpu: 0.0.44.dev20260713+nightly
codegen_flags: <defaults>
</compile_context>

<pallas_src>
import functools

import jax
import jax.numpy as jnp
from jax import lax
from jax.experimental import pallas as pl
from jax.experimental.pallas import tpu as pltpu
from jax.experimental.pallas import tpu_sc as plsc

_D = 64
_DP = 588
_K = 1024
_S = 256
_B = 4
_H = 4
_NB = 2
_DFF = 256
_BS = _B * _S
_DH = _D // _H
_TQ = 256
_NQ = _BS // _TQ

_NC = 2
_NS = 16
_NW = _NC * _NS
_RPW = _BS // _NW


def _layernorm(x, s, b):
    m = jnp.mean(x, axis=-1, keepdims=True)
    v = jnp.mean((x - m) * (x - m), axis=-1, keepdims=True)
    return (x - m) / jnp.sqrt(v + 1e-5) * s[None, :] + b[None, :]


def _gelu_tanh(x):
    c = 0.7978845608028654
    return 0.5 * x * (1.0 + jnp.tanh(c * (x + 0.044715 * (x * x * x))))


def _dot(a, b, dims, prec=jax.lax.Precision.DEFAULT):
    return jax.lax.dot_general(a, b, (dims, ((), ())), precision=prec,
                               preferred_element_type=jnp.float32)


_HI = jax.lax.Precision.HIGHEST


def vq_body(zef_ref, cb_ref, zq_ref, idx_ref):
    if True:
        zef = zef_ref[...]
        cb = cb_ref[...]
        cn_col = jnp.sum(cb * cb, axis=1, keepdims=True)
        a_aug = jnp.concatenate(
            [zef * -2.0, jnp.ones((_TQ, 1), jnp.float32)], axis=1)
        b_aug = jnp.concatenate([cb, cn_col], axis=1)
        scores = _dot(a_aug, b_aug, (((1,), (1,))), _HI)
        mn = jnp.min(scores, axis=1, keepdims=True)
        kiota = jax.lax.broadcasted_iota(jnp.int32, (_TQ, _K), 1)
        idx = jnp.min(jnp.where(scores <= mn, kiota, _K), axis=1,
                      keepdims=True)
        idx_ref[...] = idx
        onehot = (kiota == idx).astype(jnp.float32)
        zq_ref[...] = _dot(onehot, cb, (((1,), (0,))), _HI)


def vit_body(zq_ref, pos_ref, ln1s_ref, ln1b_ref, wqkv_ref, bqkv_ref,
             wo_ref, bo_ref, ln2s_ref, ln2b_ref, w1_ref, b1_ref, w2_ref,
             b2_ref, lnfs_ref, lnfb_ref, wout_ref, bout_ref, logits_ref):
    if True:
        x = zq_ref[...] + pos_ref[...]
        head_of_lane = jax.lax.broadcasted_iota(jnp.int32, (_S, _D), 1) // _DH

        for i in range(_NB):
            h = _layernorm(x, ln1s_ref[i], ln1b_ref[i])
            qkv = _dot(h, wqkv_ref[i], (((1,), (0,)))) + bqkv_ref[i][None, :]
            q = qkv[:, 0:_D]
            k = qkv[:, _D:2 * _D]
            v = qkv[:, 2 * _D:3 * _D]
            qm = jnp.concatenate(
                [jnp.where(head_of_lane == hh, q, 0.0) for hh in range(_H)],
                axis=0)
            al = _dot(qm, k, (((1,), (1,)))) * 0.25
            al = al - jnp.max(al, axis=1, keepdims=True)
            e = jnp.exp(al)
            p = e / jnp.sum(e, axis=1, keepdims=True)
            ost = _dot(p, v, (((1,), (0,))))
            o = jnp.zeros((_S, _D), jnp.float32)
            for hh in range(_H):
                o = o + jnp.where(head_of_lane == hh,
                                  ost[hh * _S:(hh + 1) * _S], 0.0)
            x = x + _dot(o, wo_ref[i], (((1,), (0,)))) + bo_ref[i][None, :]
            h2 = _layernorm(x, ln2s_ref[i], ln2b_ref[i])
            g = _dot(h2, w1_ref[i], (((1,), (0,)))) + b1_ref[i][None, :]
            x = x + _dot(_gelu_tanh(g), w2_ref[i], (((1,), (0,)))) \
                + b2_ref[i][None, :]

        xf = _layernorm(x, lnfs_ref[...], lnfb_ref[...])
        logits_ref[...] = _dot(xf, wout_ref[...], (((1,), (0,)))) \
            + bout_ref[...][None, :]


def sc_gather_body(cb_hbm, idx_hbm, out_hbm, idx_v, rows_v, sem):
    wid = lax.axis_index("s") * _NC + lax.axis_index("c")
    base = wid * _RPW
    pltpu.sync_copy(idx_hbm.at[pl.ds(base, _RPW)], idx_v)
    pltpu.async_copy(cb_hbm.at[idx_v], rows_v, sem).wait()
    pltpu.sync_copy(rows_v, out_hbm.at[pl.ds(base, _RPW)])


_sc_gather = functools.partial(
    pl.kernel,
    out_type=jax.ShapeDtypeStruct((_BS, _D), jnp.float32),
    mesh=plsc.VectorSubcoreMesh(core_axis_name="c", subcore_axis_name="s"),
    compiler_params=pltpu.CompilerParams(use_tc_tiling_on_sc=False),
    scratch_types=[
        pltpu.VMEM((_RPW,), jnp.int32),
        pltpu.VMEM((_RPW, _D), jnp.float32),
        pltpu.SemaphoreType.DMA,
    ],
)(sc_gather_body)


def _full(shape):
    return pl.BlockSpec(shape, lambda i: tuple(0 for _ in shape))


@jax.jit
def _run(zef, codebook, pos_emb, ln1_s, ln1_b, Wqkv, bqkv, Wo, bo, ln2_s,
         ln2_b, W1, b1, W2, b2, lnf_s, lnf_b, Wout, bout):
    zq_tc, idx = pl.pallas_call(
        vq_body,
        grid=(_NQ,),
        in_specs=[
            pl.BlockSpec((_TQ, _D), lambda i: (i, 0)),
            _full((_K, _D)),
        ],
        out_specs=(
            pl.BlockSpec((_TQ, _D), lambda i: (i, 0)),
            pl.BlockSpec((_TQ, 1), lambda i: (i, 0)),
        ),
        out_shape=(
            jax.ShapeDtypeStruct((_BS, _D), jnp.float32),
            jax.ShapeDtypeStruct((_BS, 1), jnp.int32),
        ),
    )(zef, codebook)

    zq = _sc_gather(codebook, idx.reshape(_BS))

    logits = pl.pallas_call(
        vit_body,
        grid=(_B,),
        in_specs=[
            pl.BlockSpec((_S, _D), lambda i: (i, 0)),
            _full((_S, _D)),
            _full((_NB, _D)), _full((_NB, _D)),
            _full((_NB, _D, 3 * _D)), _full((_NB, 3 * _D)),
            _full((_NB, _D, _D)), _full((_NB, _D)),
            _full((_NB, _D)), _full((_NB, _D)),
            _full((_NB, _D, _DFF)), _full((_NB, _DFF)),
            _full((_NB, _DFF, _D)), _full((_NB, _D)),
            _full((_D,)), _full((_D,)),
            _full((_D, _DP)), _full((_DP,)),
        ],
        out_specs=pl.BlockSpec((_S, _DP), lambda i: (i, 0)),
        out_shape=jax.ShapeDtypeStruct((_BS, _DP), jnp.float32),
    )(zq_tc, pos_emb, ln1_s, ln1_b, Wqkv, bqkv, Wo, bo, ln2_s, ln2_b,
      W1, b1, W2, b2, lnf_s, lnf_b, Wout, bout)
    return logits, zq


def kernel(ze, codebook, pos_emb, ln1_s, ln1_b, Wqkv, bqkv, Wo, bo, ln2_s,
           ln2_b, W1, b1, W2, b2, lnf_s, lnf_b, Wout, bout):
    zef = ze.reshape(_BS, _D)
    logits, zq = _run(zef, codebook, pos_emb, ln1_s, ln1_b, Wqkv, bqkv, Wo,
                      bo, ln2_s, ln2_b, W1, b1, W2, b2, lnf_s, lnf_b, Wout,
                      bout)
    return logits.reshape(_B, _S, _DP), zq.reshape(_B, _S, _D)

# --- scband reference (transcript-rebuilt; emitter-appended) ---
"""Pipeline reference for scband-decoder-78632261256068 (READ-ONLY COPY).

The authoritative reference and input builder live on the scoring server;
editing this copy changes nothing except your own understanding.
"""

import jax, jax.numpy as jnp
import numpy as np

D = 64
DP = 588
K = 1024
S = 256
B = 4
H = 4
NB = 2
DFF = 256


def setup_inputs(seed: int = 0):
    key = jax.random.key(seed)
    ks = jax.random.split(key, 10)
    return {
        'ze': jax.random.normal(ks[0], (B, S, D), dtype=jnp.float32),
        'codebook': jax.random.normal(ks[1], (K, D), dtype=jnp.float32),
        'pos_emb': jax.random.normal(ks[2], (S, D), dtype=jnp.float32) * 0.02,
        'ln1_s': jnp.ones((NB, D), jnp.float32), 'ln1_b': jnp.zeros((NB, D), jnp.float32),
        'Wqkv': jax.random.normal(ks[3], (NB, D, 3 * D), dtype=jnp.float32) * 0.05,
        'bqkv': jnp.zeros((NB, 3 * D), jnp.float32),
        'Wo': jax.random.normal(ks[4], (NB, D, D), dtype=jnp.float32) * 0.05,
        'bo': jnp.zeros((NB, D), jnp.float32),
        'ln2_s': jnp.ones((NB, D), jnp.float32), 'ln2_b': jnp.zeros((NB, D), jnp.float32),
        'W1': jax.random.normal(ks[5], (NB, D, DFF), dtype=jnp.float32) * 0.05,
        'b1': jnp.zeros((NB, DFF), jnp.float32),
        'W2': jax.random.normal(ks[6], (NB, DFF, D), dtype=jnp.float32) * 0.05,
        'b2': jnp.zeros((NB, D), jnp.float32),
        'lnf_s': jnp.ones((D,), jnp.float32), 'lnf_b': jnp.zeros((D,), jnp.float32),
        'Wout': jax.random.normal(ks[7], (D, DP), dtype=jnp.float32) * 0.05,
        'bout': jnp.zeros((DP,), jnp.float32),
    }


def _ln(x, s, b):
    m = jnp.mean(x, axis=-1, keepdims=True)
    v = jnp.var(x, axis=-1, keepdims=True)
    return (x - m) / jnp.sqrt(v + 1e-5) * s + b


def _vit(x, pos_emb, ln1_s, ln1_b, Wqkv, bqkv, Wo, bo, ln2_s, ln2_b, W1, b1, W2, b2, lnf_s, lnf_b):
    x = x + pos_emb[None, :, :]
    dh = D // H
    for i in range(NB):
        h = _ln(x, ln1_s[i], ln1_b[i])
        qkv = h @ Wqkv[i] + bqkv[i]
        q, k, v = jnp.split(qkv, 3, axis=-1)
        q = q.reshape(B, S, H, dh).transpose(0, 2, 1, 3)
        k = k.reshape(B, S, H, dh).transpose(0, 2, 1, 3)
        v = v.reshape(B, S, H, dh).transpose(0, 2, 1, 3)
        att = jax.nn.softmax(jnp.einsum('bhqd,bhkd->bhqk', q, k) / jnp.sqrt(dh), axis=-1)
        o = jnp.einsum('bhqk,bhkd->bhqd', att, v).transpose(0, 2, 1, 3).reshape(B, S, D)
        x = x + (o @ Wo[i] + bo[i])
        h = _ln(x, ln2_s[i], ln2_b[i])
        x = x + (jax.nn.gelu(h @ W1[i] + b1[i]) @ W2[i] + b2[i])
    return _ln(x, lnf_s, lnf_b)


def reference(ze, codebook, pos_emb, ln1_s, ln1_b, Wqkv, bqkv, Wo, bo, ln2_s, ln2_b, W1, b1, W2, b2, lnf_s, lnf_b, Wout, bout):
    z_d = jax.lax.stop_gradient(ze)[..., None, :]
    dist = jnp.linalg.norm(z_d - codebook[None, None, :, :], ord=2, axis=-1)
    idx = jnp.argmin(dist, axis=-1)
    zq = codebook[idx]
    # training-mode straight-through estimator (numerically equal to zq)
    x = jax.lax.stop_gradient(zq - ze) + ze
    x = _vit(x, pos_emb, ln1_s, ln1_b, Wqkv, bqkv, Wo, bo, ln2_s, ln2_b, W1, b1, W2, b2, lnf_s, lnf_b)
    logits = x @ Wout + bout
    return (logits, zq)

if __name__ == "__main__":
    import jax
    _d = setup_inputs()
    print(jax.jit(kernel)(*tuple(_d.values())))

</pallas_src>

<mosaic_0001>
#map = affine_map<(d0, d1) -> (0, 0)>
#map1 = affine_map<(d0, d1) -> (0)>
module attributes {stable_mosaic.version = 14 : i64} {
  func.func @sc_gather_body(%arg0: i32, %arg1: i32, %arg2: memref<1024x64xf32, #tpu.memory_space<hbm>>, %arg3: memref<1024xi32, #tpu.memory_space<hbm>>, %arg4: memref<1024x64xf32, #tpu.memory_space<hbm>>, %arg5: memref<32xi32, #tpu.memory_space<vmem>>, %arg6: memref<32x64xf32, #tpu.memory_space<vmem>>, %arg7: memref<!tpu.dma_semaphore, #tpu.memory_space<semaphore_mem>>) attributes {dimension_semantics = [#tpu.dimension_semantics<core_parallel>, #tpu.dimension_semantics<subcore_parallel>], iteration_bounds = array<i64: 2, 16>, scalar_prefetch = 0 : i64, scratch_operands = 3 : i64, tpu.core_type = #tpu.core_type<sc_vector_subcore>, window_params = [{transform_indices = #map}, {transform_indices = #map1}, {transform_indices = #map}]} {
    %mul3A = arith.constant 2 : i32
    %mul3A_0 = arith.muli %arg1, %mul3A : i32
    %add3A = arith.addi %mul3A_0, %arg0 : i32
    %mul3A_1 = arith.constant 32 : i32
    %mul3A_2 = arith.muli %add3A, %mul3A_1 : i32
    "tpu.region"() ({
      %run_scoped3A = tpu.sem_alloc : memref<!tpu.dma_semaphore, #tpu.memory_space<semaphore_mem>>
      %dma_start3A_7 = tpu.memref_slice %arg3[%mul3A_2] : memref<1024xi32, #tpu.memory_space<hbm>> -> memref<32xi32, #tpu.memory_space<hbm>>
      %dma_start3A_8 = tpu.memref_slice %arg3[%mul3A_2] : memref<1024xi32, #tpu.memory_space<hbm>> -> memref<32xi32, #tpu.memory_space<hbm>>
      tpu.enqueue_dma source(%dma_start3A_8 : memref<32xi32, #tpu.memory_space<hbm>>) target(%arg5 : memref<32xi32, #tpu.memory_space<vmem>>) target_semaphore(%run_scoped3A : memref<!tpu.dma_semaphore, #tpu.memory_space<semaphore_mem>>)
      %dma_wait3A_9 = tpu.memref_slice %arg3[%mul3A_2] : memref<1024xi32, #tpu.memory_space<hbm>> -> memref<32xi32, #tpu.memory_space<hbm>>
      %dma_wait3A_10 = tpu.memref_slice %arg3[%mul3A_2] : memref<1024xi32, #tpu.memory_space<hbm>> -> memref<32xi32, #tpu.memory_space<hbm>>
      tpu.wait_dma2 semaphore(%run_scoped3A : memref<!tpu.dma_semaphore, #tpu.memory_space<semaphore_mem>>) src(%dma_wait3A_10 : memref<32xi32, #tpu.memory_space<hbm>>) dst(%arg5 : memref<32xi32, #tpu.memory_space<vmem>>)
      tpu.yield
    }) : () -> ()
    %dma_start3A = arith.constant 0 : i32
    %dma_start3A_3 = arith.constant 0 : i32
    %dma_start3A_4 = tpu.memref_slice %arg2[%dma_start3A, %dma_start3A_3] : memref<1024x64xf32, #tpu.memory_space<hbm>> -> memref<1024x64xf32, #tpu.memory_space<hbm>>
    tpu.enqueue_indirect_dma source(%dma_start3A_4 : memref<1024x64xf32, #tpu.memory_space<hbm>>) target(%arg6 : memref<32x64xf32, #tpu.memory_space<vmem>>) offsets(%arg5 : memref<32xi32, #tpu.memory_space<vmem>>) semaphore(%arg7 : memref<!tpu.dma_semaphore, #tpu.memory_space<semaphore_mem>>)
    %dma_wait3A = arith.constant 0 : i32
    %dma_wait3A_5 = arith.constant 0 : i32
    %dma_wait3A_6 = tpu.memref_slice %arg2[%dma_wait3A, %dma_wait3A_5] : memref<1024x64xf32, #tpu.memory_space<hbm>> -> memref<1024x64xf32, #tpu.memory_space<hbm>>
    tpu.wait_indirect_dma semaphore(%arg7 : memref<!tpu.dma_semaphore, #tpu.memory_space<semaphore_mem>>) src(%dma_wait3A_6 : memref<1024x64xf32, #tpu.memory_space<hbm>>) dst(%arg6 : memref<32x64xf32, #tpu.memory_space<vmem>>)
    "tpu.region"() ({
      %run_scoped3A = tpu.sem_alloc : memref<!tpu.dma_semaphore, #tpu.memory_space<semaphore_mem>>
      %dma_start3A_7 = arith.constant 0 : i32
      %dma_start3A_8 = tpu.memref_slice %arg4[%mul3A_2, %dma_start3A_7] : memref<1024x64xf32, #tpu.memory_space<hbm>> -> memref<32x64xf32, #tpu.memory_space<hbm>>
      %dma_start3A_9 = arith.constant 0 : i32
      %dma_start3A_10 = tpu.memref_slice %arg4[%mul3A_2, %dma_start3A_9] : memref<1024x64xf32, #tpu.memory_space<hbm>> -> memref<32x64xf32, #tpu.memory_space<hbm>>
      tpu.enqueue_dma source(%arg6 : memref<32x64xf32, #tpu.memory_space<vmem>>) target(%dma_start3A_10 : memref<32x64xf32, #tpu.memory_space<hbm>>) target_semaphore(%run_scoped3A : memref<!tpu.dma_semaphore, #tpu.memory_space<semaphore_mem>>)
      %dma_wait3A_11 = arith.constant 0 : i32
      %dma_wait3A_12 = tpu.memref_slice %arg4[%mul3A_2, %dma_wait3A_11] : memref<1024x64xf32, #tpu.memory_space<hbm>> -> memref<32x64xf32, #tpu.memory_space<hbm>>
      %dma_wait3A_13 = arith.constant 0 : i32
      %dma_wait3A_14 = tpu.memref_slice %arg4[%mul3A_2, %dma_wait3A_13] : memref<1024x64xf32, #tpu.memory_space<hbm>> -> memref<32x64xf32, #tpu.memory_space<hbm>>
      tpu.wait_dma2 semaphore(%run_scoped3A : memref<!tpu.dma_semaphore, #tpu.memory_space<semaphore_mem>>) src(%arg6 : memref<32x64xf32, #tpu.memory_space<vmem>>) dst(%dma_wait3A_14 : memref<32x64xf32, #tpu.memory_space<hbm>>)
      tpu.yield
    }) : () -> ()
    return
  }
}

module attributes {stable_mosaic.version = 14 : i64} {
  func.func @vq_body(%arg0: i32, %arg1: memref<256x64xf32, #tpu.memory_space<vmem>>, %arg2: memref<1024x64xf32, #tpu.memory_space<vmem>>, %arg3: memref<256x64xf32, #tpu.memory_space<vmem>>, %arg4: memref<256x1xi32, #tpu.memory_space<vmem>>) attributes {dimension_semantics = [#tpu.dimension_semantics<arbitrary>], iteration_bounds = array<i64: 4>, scalar_prefetch = 0 : i64, scratch_operands = 0 : i64, tpu.core_type = #tpu.core_type<tc>, window_params = [{transform_indices = @transform_0, window_bounds = array<i64: 256, 64>}, {pipeline_mode = #tpu.pipeline_mode<synchronous>, transform_indices = @transform_1, window_bounds = array<i64: 1024, 64>}, {transform_indices = @transform_2, window_bounds = array<i64: 256, 64>}, {transform_indices = @transform_3, window_bounds = array<i64: 256, 1>}]} {
    %get3A = arith.constant 0 : index
    %get3A_0 = arith.constant 0 : index
    %get3A_1 = vector.load %arg1[%get3A, %get3A_0] : memref<256x64xf32, #tpu.memory_space<vmem>>, vector<256x64xf32>
    %get3A_2 = arith.constant 0 : index
    %get3A_3 = arith.constant 0 : index
    %get3A_4 = vector.load %arg2[%get3A_2, %get3A_3] : memref<1024x64xf32, #tpu.memory_space<vmem>>, vector<1024x64xf32>
    %mul3A = arith.mulf %get3A_4, %get3A_4 : vector<1024x64xf32>
    %reduce_sum3A = arith.constant dense<0.000000e+00> : vector<1024xf32>
    %reduce_sum3A_5 = vector.multi_reduction <add>, %mul3A, %reduce_sum3A [1] : vector<1024x64xf32> to vector<1024xf32>
    %broadcast_in_dim3A = vector.shape_cast %reduce_sum3A_5 : vector<1024xf32> to vector<1024x1xf32>
    %mul3A_6 = arith.constant -2.000000e+00 : f32
    %mul3A_7 = vector.broadcast %mul3A_6 : f32 to vector<256x64xf32>
    %mul3A_8 = arith.mulf %get3A_1, %mul3A_7 : vector<256x64xf32>
    %broadcast_in_dim3A_9 = arith.constant 1.000000e+00 : f32
    %broadcast_in_dim3A_10 = vector.broadcast %broadcast_in_dim3A_9 : f32 to vector<256x1xf32>
    %concatenate3A = tpu.concatenate %mul3A_8, %broadcast_in_dim3A_10 in 1 : vector<256x64xf32>, vector<256x1xf32> -> vector<256x65xf32>
    %concatenate3A_11 = tpu.concatenate %get3A_4, %broadcast_in_dim3A in 1 : vector<1024x64xf32>, vector<1024x1xf32> -> vector<1024x65xf32>
    %dot_general3A = arith.constant dense<0.000000e+00> : vector<256x1024xf32>
    %dot_general3A_12 = tpu.matmul %concatenate3A, %concatenate3A_11, %dot_general3A {dimension_numbers = #tpu.dot_dimension_numbers<[1], [1], [0], [0], [0, 0, 1, 0], [], []>, precision = #tpu.contract_precision<fp32>, transpose_lhs_hint = false} : vector<256x65xf32>, vector<1024x65xf32>, vector<256x1024xf32> -> vector<256x1024xf32>
    %reduce_min3A = arith.constant dense<0x7F800000> : vector<256xf32>
    %reduce_min3A_13 = vector.multi_reduction <minimumf>, %dot_general3A_12, %reduce_min3A [1] : vector<256x1024xf32> to vector<256xf32>
    %broadcast_in_dim3A_14 = vector.shape_cast %reduce_min3A_13 : vector<256xf32> to vector<256x1xf32>
    %iota3A = tpu.iota {dimensions = array<i32: 1>} : vector<256x1024xi32>
    %le3A = vector.broadcast %broadcast_in_dim3A_14 : vector<256x1xf32> to vector<256x1024xf32>
    %le3A_15 = arith.cmpf ole, %dot_general3A_12, %le3A : vector<256x1024xf32>
    %jit3A = arith.constant 1024 : i32
    %broadcast_in_dim3A_16 = vector.broadcast %jit3A : i32 to vector<256x1024xi32>
    %select_n3A = arith.select %le3A_15, %iota3A, %broadcast_in_dim3A_16 : vector<256x1024xi1>, vector<256x1024xi32>
    %reduce_min3A_17 = arith.constant dense<2147483647> : vector<256xi32>
    %reduce_min3A_18 = vector.multi_reduction <minsi>, %select_n3A, %reduce_min3A_17 [1] : vector<256x1024xi32> to vector<256xi32>
    %broadcast_in_dim3A_19 = vector.shape_cast %reduce_min3A_18 : vector<256xi32> to vector<256x1xi32>
    %swap3A = arith.constant 0 : index
    %swap3A_20 = arith.constant 0 : index
    %swap3A_21 = vector.load %arg4[%swap3A, %swap3A_20] : memref<256x1xi32, #tpu.memory_space<vmem>>, vector<256x1xi32>
    tpu.vector_store %arg4[%swap3A, %swap3A_20], %broadcast_in_dim3A_19 {strides = array<i32>} : memref<256x1xi32, #tpu.memory_space<vmem>>, vector<256x1xi32>,
    %eq3A = vector.broadcast %broadcast_in_dim3A_19 : vector<256x1xi32> to vector<256x1024xi32>
    %eq3A_22 = arith.cmpi eq, %iota3A, %eq3A : vector<256x1024xi32>
    %convert_element_type3A = arith.extui %eq3A_22 : vector<256x1024xi1> to vector<256x1024xi32>
    %convert_element_type3A_23 = arith.sitofp %convert_element_type3A : vector<256x1024xi32> to vector<256x1024xf32>
    %dot_general3A_24 = arith.constant dense<0.000000e+00> : vector<256x64xf32>
    %dot_general3A_25 = tpu.matmul %convert_element_type3A_23, %get3A_4, %dot_general3A_24 {dimension_numbers = #tpu.dot_dimension_numbers<[1], [0], [0], [1], [0, 0, 1, 1], [], []>, precision = #tpu.contract_precision<fp32>, transpose_lhs_hint = false} : vector<256x1024xf32>, vector<1024x64xf32>, vector<256x64xf32> -> vector<256x64xf32>
    %swap3A_26 = arith.constant 0 : index
    %swap3A_27 = arith.constant 0 : index
    %swap3A_28 = vector.load %arg3[%swap3A_26, %swap3A_27] : memref<256x64xf32, #tpu.memory_space<vmem>>, vector<256x64xf32>
    tpu.vector_store %arg3[%swap3A_26, %swap3A_27], %dot_general3A_25 {strides = array<i32>} : memref<256x64xf32, #tpu.memory_space<vmem>>, vector<256x64xf32>,
    return
  }
  func.func @transform_0(%arg0: i32) -> (i32, i32) {
    %c0_i32 = arith.constant 0 : i32
    %c0_i32_0 = arith.constant 0 : i32
    return %arg0, %c0_i32 : i32, i32
  }
  func.func @transform_1(%arg0: i32) -> (i32, i32) {
    %c0_i32 = arith.constant 0 : i32
    %c0_i32_0 = arith.constant 0 : i32
    %c0_i32_1 = arith.constant 0 : i32
    return %c0_i32, %c0_i32_0 : i32, i32
  }
  func.func @transform_2(%arg0: i32) -> (i32, i32) {
    %c0_i32 = arith.constant 0 : i32
    %c0_i32_0 = arith.constant 0 : i32
    return %arg0, %c0_i32 : i32, i32
  }
  func.func @transform_3(%arg0: i32) -> (i32, i32) {
    %c0_i32 = arith.constant 0 : i32
    %c0_i32_0 = arith.constant 0 : i32
    return %arg0, %c0_i32 : i32, i32
  }
}

module attributes {stable_mosaic.version = 14 : i64} {
  func.func @vit_body(%arg0: i32, %arg1: memref<256x64xf32, #tpu.memory_space<vmem>>, %arg2: memref<256x64xf32, #tpu.memory_space<vmem>>, %arg3: memref<2x64xf32, #tpu.memory_space<vmem>>, %arg4: memref<2x64xf32, #tpu.memory_space<vmem>>, %arg5: memref<2x64x192xf32, #tpu.memory_space<vmem>>, %arg6: memref<2x192xf32, #tpu.memory_space<vmem>>, %arg7: memref<2x64x64xf32, #tpu.memory_space<vmem>>, %arg8: memref<2x64xf32, #tpu.memory_space<vmem>>, %arg9: memref<2x64xf32, #tpu.memory_space<vmem>>, %arg10: memref<2x64xf32, #tpu.memory_space<vmem>>, %arg11: memref<2x64x256xf32, #tpu.memory_space<vmem>>, %arg12: memref<2x256xf32, #tpu.memory_space<vmem>>, %arg13: memref<2x256x64xf32, #tpu.memory_space<vmem>>, %arg14: memref<2x64xf32, #tpu.memory_space<vmem>>, %arg15: memref<64xf32, #tpu.memory_space<vmem>>, %arg16: memref<64xf32, #tpu.memory_space<vmem>>, %arg17: memref<64x588xf32, #tpu.memory_space<vmem>>, %arg18: memref<588xf32, #tpu.memory_space<vmem>>, %arg19: memref<256x588xf32, #tpu.memory_space<vmem>>) attributes {dimension_semantics = [#tpu.dimension_semantics<arbitrary>], iteration_bounds = array<i64: 4>, scalar_prefetch = 0 : i64, scratch_operands = 0 : i64, tpu.core_type = #tpu.core_type<tc>, window_params = [{transform_indices = @transform_0, window_bounds = array<i64: 256, 64>}, {pipeline_mode = #tpu.pipeline_mode<synchronous>, transform_indices = @transform_1, window_bounds = array<i64: 256, 64>}, {pipeline_mode = #tpu.pipeline_mode<synchronous>, transform_indices = @transform_2, window_bounds = array<i64: 2, 64>}, {pipeline_mode = #tpu.pipeline_mode<synchronous>, transform_indices = @transform_3, window_bounds = array<i64: 2, 64>}, {pipeline_mode = #tpu.pipeline_mode<synchronous>, transform_indices = @transform_4, window_bounds = array<i64: 2, 64, 192>}, {pipeline_mode = #tpu.pipeline_mode<synchronous>, transform_indices = @transform_5, window_bounds = array<i64: 2, 192>}, {pipeline_mode = #tpu.pipeline_mode<synchronous>, transform_indices = @transform_6, window_bounds = array<i64: 2, 64, 64>}, {pipeline_mode = #tpu.pipeline_mode<synchronous>, transform_indices = @transform_7, window_bounds = array<i64: 2, 64>}, {pipeline_mode = #tpu.pipeline_mode<synchronous>, transform_indices = @transform_8, window_bounds = array<i64: 2, 64>}, {pipeline_mode = #tpu.pipeline_mode<synchronous>, transform_indices = @transform_9, window_bounds = array<i64: 2, 64>}, {pipeline_mode = #tpu.pipeline_mode<synchronous>, transform_indices = @transform_10, window_bounds = array<i64: 2, 64, 256>}, {pipeline_mode = #tpu.pipeline_mode<synchronous>, transform_indices = @transform_11, window_bounds = array<i64: 2, 256>}, {pipeline_mode = #tpu.pipeline_mode<synchronous>, transform_indices = @transform_12, window_bounds = array<i64: 2, 256, 64>}, {pipeline_mode = #tpu.pipeline_mode<synchronous>, transform_indices = @transform_13, window_bounds = array<i64: 2, 64>}, {pipeline_mode = #tpu.pipeline_mode<synchronous>, transform_indices = @transform_14, window_bounds = array<i64: 64>}, {pipeline_mode = #tpu.pipeline_mode<synchronous>, transform_indices = @transform_15, window_bounds = array<i64: 64>}, {pipeline_mode = #tpu.pipeline_mode<synchronous>, transform_indices = @transform_16, window_bounds = array<i64: 64, 588>}, {pipeline_mode = #tpu.pipeline_mode<synchronous>, transform_indices = @transform_17, window_bounds = array<i64: 588>}, {transform_indices = @transform_18, window_bounds = array<i64: 256, 588>}]} {
    %get3A = arith.constant 0 : index
    %get3A_0 = arith.constant 0 : index
    %get3A_1 = vector.load %arg1[%get3A, %get3A_0] : memref<256x64xf32, #tpu.memory_space<vmem>>, vector<256x64xf32>
    %get3A_2 = arith.constant 0 : index
    %get3A_3 = arith.constant 0 : index
    %get3A_4 = vector.load %arg2[%get3A_2, %get3A_3] : memref<256x64xf32, #tpu.memory_space<vmem>>, vector<256x64xf32>
    %add3A = arith.addf %get3A_1, %get3A_4 : vector<256x64xf32>
    %iota3A = tpu.iota {dimensions = array<i32: 1>} : vector<256x64xi32>
    %jit3A = arith.constant 16 : i32
    %div3A = vector.broadcast %jit3A : i32 to vector<256x64xi32>
    %div3A_5 = arith.divsi %iota3A, %div3A : vector<256x64xi32>
    %sign3A = arith.constant 0 : i32
    %sign3A_6 = vector.broadcast %sign3A : i32 to vector<256x64xi32>
    %sign3A_7 = arith.cmpi sgt, %iota3A, %sign3A_6 : vector<256x64xi32>
    %sign3A_8 = arith.extui %sign3A_7 : vector<256x64xi1> to vector<256x64xi32>
    %sign3A_9 = arith.constant 0 : i32
    %sign3A_10 = vector.broadcast %sign3A_9 : i32 to vector<256x64xi32>
    %sign3A_11 = arith.cmpi slt, %iota3A, %sign3A_10 : vector<256x64xi32>
    %sign3A_12 = arith.extui %sign3A_11 : vector<256x64xi1> to vector<256x64xi32>
    %sign3A_13 = arith.subi %sign3A_8, %sign3A_12 : vector<256x64xi32>
    %sign3A_14 = arith.constant 0 : i32
    %sign3A_15 = arith.cmpi sgt, %jit3A, %sign3A_14 : i32
    %sign3A_16 = arith.extui %sign3A_15 : i1 to i32
    %sign3A_17 = arith.constant 0 : i32
    %sign3A_18 = arith.cmpi slt, %jit3A, %sign3A_17 : i32
    %sign3A_19 = arith.extui %sign3A_18 : i1 to i32
    %sign3A_20 = arith.subi %sign3A_16, %sign3A_19 : i32
    %ne3A = vector.broadcast %sign3A_20 : i32 to vector<256x64xi32>
    %ne3A_21 = arith.cmpi ne, %sign3A_13, %ne3A : vector<256x64xi32>
    %rem3A = vector.broadcast %jit3A : i32 to vector<256x64xi32>
    %rem3A_22 = arith.remsi %iota3A, %rem3A : vector<256x64xi32>
    %ne3A_23 = arith.constant 0 : i32
    %ne3A_24 = vector.broadcast %ne3A_23 : i32 to vector<256x64xi32>
    %ne3A_25 = arith.cmpi ne, %rem3A_22, %ne3A_24 : vector<256x64xi32>
    %and3A = arith.andi %ne3A_21, %ne3A_25 : vector<256x64xi1>
    %sub3A = arith.constant 1 : i32
    %sub3A_26 = vector.broadcast %sub3A : i32 to vector<256x64xi32>
    %sub3A_27 = arith.subi %div3A_5, %sub3A_26 : vector<256x64xi32>
    %select_n3A = arith.select %and3A, %sub3A_27, %div3A_5 : vector<256x64xi1>, vector<256x64xi32>
    %get3A_28 = arith.constant 0 : index
    %get3A_29 = arith.constant 0 : index
    %get3A_30 = vector.load %arg3[%get3A_28, %get3A_29] : memref<2x64xf32, #tpu.memory_space<vmem>>, vector<1x64xf32>
    %get3A_31 = vector.shape_cast %get3A_30 : vector<1x64xf32> to vector<64xf32>
    %get3A_32 = arith.constant 0 : index
    %get3A_33 = arith.constant 0 : index
    %get3A_34 = vector.load %arg4[%get3A_32, %get3A_33] : memref<2x64xf32, #tpu.memory_space<vmem>>, vector<1x64xf32>
    %get3A_35 = vector.shape_cast %get3A_34 : vector<1x64xf32> to vector<64xf32>
    %reduce_sum3A = arith.constant dense<0.000000e+00> : vector<256xf32>
    %reduce_sum3A_36 = vector.multi_reduction <add>, %add3A, %reduce_sum3A [1] : vector<256x64xf32> to vector<256xf32>
    %broadcast_in_dim3A = vector.shape_cast %reduce_sum3A_36 : vector<256xf32> to vector<256x1xf32>
    %div3A_37 = arith.constant 6.400000e+01 : f32
    %div3A_38 = vector.broadcast %div3A_37 : f32 to vector<256x1xf32>
    %div3A_39 = arith.divf %broadcast_in_dim3A, %div3A_38 : vector<256x1xf32>
    %sub3A_40 = vector.broadcast %div3A_39 : vector<256x1xf32> to vector<256x64xf32>
    %sub3A_41 = arith.subf %add3A, %sub3A_40 : vector<256x64xf32>
    %sub3A_42 = vector.broadcast %div3A_39 : vector<256x1xf32> to vector<256x64xf32>
    %sub3A_43 = arith.subf %add3A, %sub3A_42 : vector<256x64xf32>
    %mul3A = arith.mulf %sub3A_41, %sub3A_43 : vector<256x64xf32>
    %reduce_sum3A_44 = arith.constant dense<0.000000e+00> : vector<256xf32>
    %reduce_sum3A_45 = vector.multi_reduction <add>, %mul3A, %reduce_sum3A_44 [1] : vector<256x64xf32> to vector<256xf32>
    %broadcast_in_dim3A_46 = vector.shape_cast %reduce_sum3A_45 : vector<256xf32> to vector<256x1xf32>
    %div3A_47 = arith.constant 6.400000e+01 : f32
    %div3A_48 = vector.broadcast %div3A_47 : f32 to vector<256x1xf32>
    %div3A_49 = arith.divf %broadcast_in_dim3A_46, %div3A_48 : vector<256x1xf32>
    %sub3A_50 = vector.broadcast %div3A_39 : vector<256x1xf32> to vector<256x64xf32>
    %sub3A_51 = arith.subf %add3A, %sub3A_50 : vector<256x64xf32>
    %add3A_52 = arith.constant 9.99999974E-6 : f32
    %add3A_53 = vector.broadcast %add3A_52 : f32 to vector<256x1xf32>
    %add3A_54 = arith.addf %div3A_49, %add3A_53 : vector<256x1xf32>
    %sqrt3A = math.sqrt %add3A_54 : vector<256x1xf32>
    %div3A_55 = vector.broadcast %sqrt3A : vector<256x1xf32> to vector<256x64xf32>
    %div3A_56 = arith.divf %sub3A_51, %div3A_55 : vector<256x64xf32>
    %broadcast_in_dim3A_57 = vector.shape_cast %get3A_31 : vector<64xf32> to vector<1x64xf32>
    %mul3A_58 = vector.broadcast %broadcast_in_dim3A_57 : vector<1x64xf32> to vector<256x64xf32>
    %mul3A_59 = arith.mulf %div3A_56, %mul3A_58 : vector<256x64xf32>
    %broadcast_in_dim3A_60 = vector.shape_cast %get3A_35 : vector<64xf32> to vector<1x64xf32>
    %add3A_61 = vector.broadcast %broadcast_in_dim3A_60 : vector<1x64xf32> to vector<256x64xf32>
    %add3A_62 = arith.addf %mul3A_59, %add3A_61 : vector<256x64xf32>
    %get3A_63 = arith.constant 0 : index
    %get3A_64 = arith.constant 0 : index
    %get3A_65 = arith.constant 0 : index
    %get3A_66 = vector.load %arg5[%get3A_63, %get3A_64, %get3A_65] : memref<2x64x192xf32, #tpu.memory_space<vmem>>, vector<1x64x192xf32>
    %get3A_67 = vector.shape_cast %get3A_66 : vector<1x64x192xf32> to vector<64x192xf32>
    %dot_general3A = arith.constant dense<0.000000e+00> : vector<256x192xf32>
    %dot_general3A_68 = tpu.matmul %add3A_62, %get3A_67, %dot_general3A {dimension_numbers = #tpu.dot_dimension_numbers<[1], [0], [0], [1], [0, 0, 1, 1], [], []>, transpose_lhs_hint = false} : vector<256x64xf32>, vector<64x192xf32>, vector<256x192xf32> -> vector<256x192xf32>
    %get3A_69 = arith.constant 0 : index
    %get3A_70 = arith.constant 0 : index
    %get3A_71 = vector.load %arg6[%get3A_69, %get3A_70] : memref<2x192xf32, #tpu.memory_space<vmem>>, vector<1x192xf32>
    %get3A_72 = vector.shape_cast %get3A_71 : vector<1x192xf32> to vector<192xf32>
    %broadcast_in_dim3A_73 = vector.shape_cast %get3A_72 : vector<192xf32> to vector<1x192xf32>
    %add3A_74 = vector.broadcast %broadcast_in_dim3A_73 : vector<1x192xf32> to vector<256x192xf32>
    %add3A_75 = arith.addf %dot_general3A_68, %add3A_74 : vector<256x192xf32>
    %slice3A = vector.extract_strided_slice %add3A_75 {offsets = [0, 0], sizes = [256, 64], strides = [1, 1]} : vector<256x192xf32> to vector<256x64xf32>
    %slice3A_76 = vector.extract_strided_slice %add3A_75 {offsets = [0, 64], sizes = [256, 64], strides = [1, 1]} : vector<256x192xf32> to vector<256x64xf32>
    %slice3A_77 = vector.extract_strided_slice %add3A_75 {offsets = [0, 128], sizes = [256, 64], strides = [1, 1]} : vector<256x192xf32> to vector<256x64xf32>
    %eq3A = arith.constant 0 : i32
    %eq3A_78 = vector.broadcast %eq3A : i32 to vector<256x64xi32>
    %eq3A_79 = arith.cmpi eq, %select_n3A, %eq3A_78 : vector<256x64xi32>
    %jit3A_80 = arith.constant 0.000000e+00 : f32
    %broadcast_in_dim3A_81 = vector.broadcast %jit3A_80 : f32 to vector<256x64xf32>
    %select_n3A_82 = arith.select %eq3A_79, %slice3A, %broadcast_in_dim3A_81 : vector<256x64xi1>, vector<256x64xf32>
    %eq3A_83 = arith.constant 1 : i32
    %eq3A_84 = vector.broadcast %eq3A_83 : i32 to vector<256x64xi32>
    %eq3A_85 = arith.cmpi eq, %select_n3A, %eq3A_84 : vector<256x64xi32>
    %jit3A_86 = arith.constant 0.000000e+00 : f32
    %broadcast_in_dim3A_87 = vector.broadcast %jit3A_86 : f32 to vector<256x64xf32>
    %select_n3A_88 = arith.select %eq3A_85, %slice3A, %broadcast_in_dim3A_87 : vector<256x64xi1>, vector<256x64xf32>
    %eq3A_89 = arith.constant 2 : i32
    %eq3A_90 = vector.broadcast %eq3A_89 : i32 to vector<256x64xi32>
    %eq3A_91 = arith.cmpi eq, %select_n3A, %eq3A_90 : vector<256x64xi32>
    %jit3A_92 = arith.constant 0.000000e+00 : f32
    %broadcast_in_dim3A_93 = vector.broadcast %jit3A_92 : f32 to vector<256x64xf32>
    %select_n3A_94 = arith.select %eq3A_91, %slice3A, %broadcast_in_dim3A_93 : vector<256x64xi1>, vector<256x64xf32>
    %eq3A_95 = arith.constant 3 : i32
    %eq3A_96 = vector.broadcast %eq3A_95 : i32 to vector<256x64xi32>
    %eq3A_97 = arith.cmpi eq, %select_n3A, %eq3A_96 : vector<256x64xi32>
    %jit3A_98 = arith.constant 0.000000e+00 : f32
    %broadcast_in_dim3A_99 = vector.broadcast %jit3A_98 : f32 to vector<256x64xf32>
    %select_n3A_100 = arith.select %eq3A_97, %slice3A, %broadcast_in_dim3A_99 : vector<256x64xi1>, vector<256x64xf32>
    %concatenate3A = tpu.concatenate %select_n3A_82, %select_n3A_88, %select_n3A_94, %select_n3A_100 in 0 : vector<256x64xf32>, vector<256x64xf32>, vector<256x64xf32>, vector<256x64xf32> -> vector<1024x64xf32>
    %dot_general3A_101 = arith.constant dense<0.000000e+00> : vector<1024x256xf32>
    %dot_general3A_102 = tpu.matmul %concatenate3A, %slice3A_76, %dot_general3A_101 {dimension_numbers = #tpu.dot_dimension_numbers<[1], [1], [0], [0], [0, 0, 1, 0], [], []>, transpose_lhs_hint = false} : vector<1024x64xf32>, vector<256x64xf32>, vector<1024x256xf32> -> vector<1024x256xf32>
    %mul3A_103 = arith.constant 2.500000e-01 : f32
    %mul3A_104 = vector.broadcast %mul3A_103 : f32 to vector<1024x256xf32>
    %mul3A_105 = arith.mulf %dot_general3A_102, %mul3A_104 : vector<1024x256xf32>
    %reduce_max3A = arith.constant dense<0xFF800000> : vector<1024xf32>
    %reduce_max3A_106 = vector.multi_reduction <maximumf>, %mul3A_105, %reduce_max3A [1] : vector<1024x256xf32> to vector<1024xf32>
    %broadcast_in_dim3A_107 = vector.shape_cast %reduce_max3A_106 : vector<1024xf32> to vector<1024x1xf32>
    %sub3A_108 = vector.broadcast %broadcast_in_dim3A_107 : vector<1024x1xf32> to vector<1024x256xf32>
    %sub3A_109 = arith.subf %mul3A_105, %sub3A_108 : vector<1024x256xf32>
    %exp3A = math.exp %sub3A_109 : vector<1024x256xf32>
    %reduce_sum3A_110 = arith.constant dense<0.000000e+00> : vector<1024xf32>
    %reduce_sum3A_111 = vector.multi_reduction <add>, %exp3A, %reduce_sum3A_110 [1] : vector<1024x256xf32> to vector<1024xf32>
    %broadcast_in_dim3A_112 = vector.shape_cast %reduce_sum3A_111 : vector<1024xf32> to vector<1024x1xf32>
    %div3A_113 = vector.broadcast %broadcast_in_dim3A_112 : vector<1024x1xf32> to vector<1024x256xf32>
    %div3A_114 = arith.divf %exp3A, %div3A_113 : vector<1024x256xf32>
    %dot_general3A_115 = arith.constant dense<0.000000e+00> : vector<1024x64xf32>
    %dot_general3A_116 = tpu.matmul %div3A_114, %slice3A_77, %dot_general3A_115 {dimension_numbers = #tpu.dot_dimension_numbers<[1], [0], [0], [1], [0, 0, 1, 1], [], []>, transpose_lhs_hint = false} : vector<1024x256xf32>, vector<256x64xf32>, vector<1024x64xf32> -> vector<1024x64xf32>
    %broadcast_in_dim3A_117 = arith.constant 0.000000e+00 : f32
    %broadcast_in_dim3A_118 = vector.broadcast %broadcast_in_dim3A_117 : f32 to vector<256x64xf32>
    %eq3A_119 = arith.constant 0 : i32
    %eq3A_120 = vector.broadcast %eq3A_119 : i32 to vector<256x64xi32>
    %eq3A_121 = arith.cmpi eq, %select_n3A, %eq3A_120 : vector<256x64xi32>
    %slice3A_122 = vector.extract_strided_slice %dot_general3A_116 {offsets = [0, 0], sizes = [256, 64], strides = [1, 1]} : vector<1024x64xf32> to vector<256x64xf32>
    %jit3A_123 = arith.constant 0.000000e+00 : f32
    %broadcast_in_dim3A_124 = vector.broadcast %jit3A_123 : f32 to vector<256x64xf32>
    %select_n3A_125 = arith.select %eq3A_121, %slice3A_122, %broadcast_in_dim3A_124 : vector<256x64xi1>, vector<256x64xf32>
    %add3A_126 = arith.addf %broadcast_in_dim3A_118, %select_n3A_125 : vector<256x64xf32>
    %eq3A_127 = arith.constant 1 : i32
    %eq3A_128 = vector.broadcast %eq3A_127 : i32 to vector<256x64xi32>
    %eq3A_129 = arith.cmpi eq, %select_n3A, %eq3A_128 : vector<256x64xi32>
    %slice3A_130 = vector.extract_strided_slice %dot_general3A_116 {offsets = [256, 0], sizes = [256, 64], strides = [1, 1]} : vector<1024x64xf32> to vector<256x64xf32>
    %jit3A_131 = arith.constant 0.000000e+00 : f32
    %broadcast_in_dim3A_132 = vector.broadcast %jit3A_131 : f32 to vector<256x64xf32>
    %select_n3A_133 = arith.select %eq3A_129, %slice3A_130, %broadcast_in_dim3A_132 : vector<256x64xi1>, vector<256x64xf32>
    %add3A_134 = arith.addf %add3A_126, %select_n3A_133 : vector<256x64xf32>
    %eq3A_135 = arith.constant 2 : i32
    %eq3A_136 = vector.broadcast %eq3A_135 : i32 to vector<256x64xi32>
    %eq3A_137 = arith.cmpi eq, %select_n3A, %eq3A_136 : vector<256x64xi32>
    %slice3A_138 = vector.extract_strided_slice %dot_general3A_116 {offsets = [512, 0], sizes = [256, 64], strides = [1, 1]} : vector<1024x64xf32> to vector<256x64xf32>
    %jit3A_139 = arith.constant 0.000000e+00 : f32
    %broadcast_in_dim3A_140 = vector.broadcast %jit3A_139 : f32 to vector<256x64xf32>
    %select_n3A_141 = arith.select %eq3A_137, %slice3A_138, %broadcast_in_dim3A_140 : vector<256x64xi1>, vector<256x64xf32>
    %add3A_142 = arith.addf %add3A_134, %select_n3A_141 : vector<256x64xf32>
    %eq3A_143 = arith.constant 3 : i32
    %eq3A_144 = vector.broadcast %eq3A_143 : i32 to vector<256x64xi32>
    %eq3A_145 = arith.cmpi eq, %select_n3A, %eq3A_144 : vector<256x64xi32>
    %slice3A_146 = vector.extract_strided_slice %dot_general3A_116 {offsets = [768, 0], sizes = [256, 64], strides = [1, 1]} : vector<1024x64xf32> to vector<256x64xf32>
    %jit3A_147 = arith.constant 0.000000e+00 : f32
    %broadcast_in_dim3A_148 = vector.broadcast %jit3A_147 : f32 to vector<256x64xf32>
    %select_n3A_149 = arith.select %eq3A_145, %slice3A_146, %broadcast_in_dim3A_148 : vector<256x64xi1>, vector<256x64xf32>
    %add3A_150 = arith.addf %add3A_142, %select_n3A_149 : vector<256x64xf32>
    %get3A_151 = arith.constant 0 : index
    %get3A_152 = arith.constant 0 : index
    %get3A_153 = arith.constant 0 : index
    %get3A_154 = vector.load %arg7[%get3A_151, %get3A_152, %get3A_153] : memref<2x64x64xf32, #tpu.memory_space<vmem>>, vector<1x64x64xf32>
    %get3A_155 = vector.shape_cast %get3A_154 : vector<1x64x64xf32> to vector<64x64xf32>
    %dot_general3A_156 = arith.constant dense<0.000000e+00> : vector<256x64xf32>
    %dot_general3A_157 = tpu.matmul %add3A_150, %get3A_155, %dot_general3A_156 {dimension_numbers = #tpu.dot_dimension_numbers<[1], [0], [0], [1], [0, 0, 1, 1], [], []>, transpose_lhs_hint = false} : vector<256x64xf32>, vector<64x64xf32>, vector<256x64xf32> -> vector<256x64xf32>
    %add3A_158 = arith.addf %add3A, %dot_general3A_157 : vector<256x64xf32>
    %get3A_159 = arith.constant 0 : index
    %get3A_160 = arith.constant 0 : index
    %get3A_161 = vector.load %arg8[%get3A_159, %get3A_160] : memref<2x64xf32, #tpu.memory_space<vmem>>, vector<1x64xf32>
    %get3A_162 = vector.shape_cast %get3A_161 : vector<1x64xf32> to vector<64xf32>
    %broadcast_in_dim3A_163 = vector.shape_cast %get3A_162 : vector<64xf32> to vector<1x64xf32>
    %add3A_164 = vector.broadcast %broadcast_in_dim3A_163 : vector<1x64xf32> to vector<256x64xf32>
    %add3A_165 = arith.addf %add3A_158, %add3A_164 : vector<256x64xf32>
    %get3A_166 = arith.constant 0 : index
    %get3A_167 = arith.constant 0 : index
    %get3A_168 = vector.load %arg9[%get3A_166, %get3A_167] : memref<2x64xf32, #tpu.memory_space<vmem>>, vector<1x64xf32>
    %get3A_169 = vector.shape_cast %get3A_168 : vector<1x64xf32> to vector<64xf32>
    %get3A_170 = arith.constant 0 : index
    %get3A_171 = arith.constant 0 : index
    %get3A_172 = vector.load %arg10[%get3A_170, %get3A_171] : memref<2x64xf32, #tpu.memory_space<vmem>>, vector<1x64xf32>
    %get3A_173 = vector.shape_cast %get3A_172 : vector<1x64xf32> to vector<64xf32>
    %reduce_sum3A_174 = arith.constant dense<0.000000e+00> : vector<256xf32>
    %reduce_sum3A_175 = vector.multi_reduction <add>, %add3A_165, %reduce_sum3A_174 [1] : vector<256x64xf32> to vector<256xf32>
    %broadcast_in_dim3A_176 = vector.shape_cast %reduce_sum3A_175 : vector<256xf32> to vector<256x1xf32>
    %div3A_177 = arith.constant 6.400000e+01 : f32
    %div3A_178 = vector.broadcast %div3A_177 : f32 to vector<256x1xf32>
    %div3A_179 = arith.divf %broadcast_in_dim3A_176, %div3A_178 : vector<256x1xf32>
    %sub3A_180 = vector.broadcast %div3A_179 : vector<256x1xf32> to vector<256x64xf32>
    %sub3A_181 = arith.subf %add3A_165, %sub3A_180 : vector<256x64xf32>
    %sub3A_182 = vector.broadcast %div3A_179 : vector<256x1xf32> to vector<256x64xf32>
    %sub3A_183 = arith.subf %add3A_165, %sub3A_182 : vector<256x64xf32>
    %mul3A_184 = arith.mulf %sub3A_181, %sub3A_183 : vector<256x64xf32>
    %reduce_sum3A_185 = arith.constant dense<0.000000e+00> : vector<256xf32>
    %reduce_sum3A_186 = vector.multi_reduction <add>, %mul3A_184, %reduce_sum3A_185 [1] : vector<256x64xf32> to vector<256xf32>
    %broadcast_in_dim3A_187 = vector.shape_cast %reduce_sum3A_186 : vector<256xf32> to vector<256x1xf32>
    %div3A_188 = arith.constant 6.400000e+01 : f32
    %div3A_189 = vector.broadcast %div3A_188 : f32 to vector<256x1xf32>
    %div3A_190 = arith.divf %broadcast_in_dim3A_187, %div3A_189 : vector<256x1xf32>
    %sub3A_191 = vector.broadcast %div3A_179 : vector<256x1xf32> to vector<256x64xf32>
    %sub3A_192 = arith.subf %add3A_165, %sub3A_191 : vector<256x64xf32>
    %add3A_193 = arith.constant 9.99999974E-6 : f32
    %add3A_194 = vector.broadcast %add3A_193 : f32 to vector<256x1xf32>
    %add3A_195 = arith.addf %div3A_190, %add3A_194 : vector<256x1xf32>
    %sqrt3A_196 = math.sqrt %add3A_195 : vector<256x1xf32>
    %div3A_197 = vector.broadcast %sqrt3A_196 : vector<256x1xf32> to vector<256x64xf32>
    %div3A_198 = arith.divf %sub3A_192, %div3A_197 : vector<256x64xf32>
    %broadcast_in_dim3A_199 = vector.shape_cast %get3A_169 : vector<64xf32> to vector<1x64xf32>
    %mul3A_200 = vector.broadcast %broadcast_in_dim3A_199 : vector<1x64xf32> to vector<256x64xf32>
    %mul3A_201 = arith.mulf %div3A_198, %mul3A_200 : vector<256x64xf32>
    %broadcast_in_dim3A_202 = vector.shape_cast %get3A_173 : vector<64xf32> to vector<1x64xf32>
    %add3A_203 = vector.broadcast %broadcast_in_dim3A_202 : vector<1x64xf32> to vector<256x64xf32>
    %add3A_204 = arith.addf %mul3A_201, %add3A_203 : vector<256x64xf32>
    %get3A_205 = arith.constant 0 : index
    %get3A_206 = arith.constant 0 : index
    %get3A_207 = arith.constant 0 : index
    %get3A_208 = vector.load %arg11[%get3A_205, %get3A_206, %get3A_207] : memref<2x64x256xf32, #tpu.memory_space<vmem>>, vector<1x64x256xf32>
    %get3A_209 = vector.shape_cast %get3A_208 : vector<1x64x256xf32> to vector<64x256xf32>
    %dot_general3A_210 = arith.constant dense<0.000000e+00> : vector<256x256xf32>
    %dot_general3A_211 = tpu.matmul %add3A_204, %get3A_209, %dot_general3A_210 {dimension_numbers = #tpu.dot_dimension_numbers<[1], [0], [0], [1], [0, 0, 1, 1], [], []>, transpose_lhs_hint = false} : vector<256x64xf32>, vector<64x256xf32>, vector<256x256xf32> -> vector<256x256xf32>
    %get3A_212 = arith.constant 0 : index
    %get3A_213 = arith.constant 0 : index
    %get3A_214 = vector.load %arg12[%get3A_212, %get3A_213] : memref<2x256xf32, #tpu.memory_space<vmem>>, vector<1x256xf32>
    %get3A_215 = vector.shape_cast %get3A_214 : vector<1x256xf32> to vector<256xf32>
    %broadcast_in_dim3A_216 = vector.shape_cast %get3A_215 : vector<256xf32> to vector<1x256xf32>
    %add3A_217 = vector.broadcast %broadcast_in_dim3A_216 : vector<1x256xf32> to vector<256x256xf32>
    %add3A_218 = arith.addf %dot_general3A_211, %add3A_217 : vector<256x256xf32>
    %mul3A_219 = arith.constant 5.000000e-01 : f32
    %mul3A_220 = vector.broadcast %mul3A_219 : f32 to vector<256x256xf32>
    %mul3A_221 = arith.mulf %mul3A_220, %add3A_218 : vector<256x256xf32>
    %mul3A_222 = arith.mulf %add3A_218, %add3A_218 : vector<256x256xf32>
    %mul3A_223 = arith.mulf %mul3A_222, %add3A_218 : vector<256x256xf32>
    %mul3A_224 = arith.constant 4.471500e-02 : f32
    %mul3A_225 = vector.broadcast %mul3A_224 : f32 to vector<256x256xf32>
    %mul3A_226 = arith.mulf %mul3A_225, %mul3A_223 : vector<256x256xf32>
    %add3A_227 = arith.addf %add3A_218, %mul3A_226 : vector<256x256xf32>
    %mul3A_228 = arith.constant 0.797884583 : f32
    %mul3A_229 = vector.broadcast %mul3A_228 : f32 to vector<256x256xf32>
    %mul3A_230 = arith.mulf %mul3A_229, %add3A_227 : vector<256x256xf32>
    %tanh3A = math.tanh %mul3A_230 : vector<256x256xf32>
    %add3A_231 = arith.constant 1.000000e+00 : f32
    %add3A_232 = vector.broadcast %add3A_231 : f32 to vector<256x256xf32>
    %add3A_233 = arith.addf %add3A_232, %tanh3A : vector<256x256xf32>
    %mul3A_234 = arith.mulf %mul3A_221, %add3A_233 : vector<256x256xf32>
    %get3A_235 = arith.constant 0 : index
    %get3A_236 = arith.constant 0 : index
    %get3A_237 = arith.constant 0 : index
    %get3A_238 = vector.load %arg13[%get3A_235, %get3A_236, %get3A_237] : memref<2x256x64xf32, #tpu.memory_space<vmem>>, vector<1x256x64xf32>
    %get3A_239 = vector.shape_cast %get3A_238 : vector<1x256x64xf32> to vector<256x64xf32>
    %dot_general3A_240 = arith.constant dense<0.000000e+00> : vector<256x64xf32>
    %dot_general3A_241 = tpu.matmul %mul3A_234, %get3A_239, %dot_general3A_240 {dimension_numbers = #tpu.dot_dimension_numbers<[1], [0], [0], [1], [0, 0, 1, 1], [], []>, transpose_lhs_hint = false} : vector<256x256xf32>, vector<256x64xf32>, vector<256x64xf32> -> vector<256x64xf32>
    %add3A_242 = arith.addf %add3A_165, %dot_general3A_241 : vector<256x64xf32>
    %get3A_243 = arith.constant 0 : index
    %get3A_244 = arith.constant 0 : index
    %get3A_245 = vector.load %arg14[%get3A_243, %get3A_244] : memref<2x64xf32, #tpu.memory_space<vmem>>, vector<1x64xf32>
    %get3A_246 = vector.shape_cast %get3A_245 : vector<1x64xf32> to vector<64xf32>
    %broadcast_in_dim3A_247 = vector.shape_cast %get3A_246 : vector<64xf32> to vector<1x64xf32>
    %add3A_248 = vector.broadcast %broadcast_in_dim3A_247 : vector<1x64xf32> to vector<256x64xf32>
    %add3A_249 = arith.addf %add3A_242, %add3A_248 : vector<256x64xf32>
    %get3A_250 = arith.constant 1 : index
    %get3A_251 = arith.constant 0 : index
    %get3A_252 = vector.load %arg3[%get3A_250, %get3A_251] : memref<2x64xf32, #tpu.memory_space<vmem>>, vector<1x64xf32>
    %get3A_253 = vector.shape_cast %get3A_252 : vector<1x64xf32> to vector<64xf32>
    %get3A_254 = arith.constant 1 : index
    %get3A_255 = arith.constant 0 : index
    %get3A_256 = vector.load %arg4[%get3A_254, %get3A_255] : memref<2x64xf32, #tpu.memory_space<vmem>>, vector<1x64xf32>
    %get3A_257 = vector.shape_cast %get3A_256 : vector<1x64xf32> to vector<64xf32>
    %reduce_sum3A_258 = arith.constant dense<0.000000e+00> : vector<256xf32>
    %reduce_sum3A_259 = vector.multi_reduction <add>, %add3A_249, %reduce_sum3A_258 [1] : vector<256x64xf32> to vector<256xf32>
    %broadcast_in_dim3A_260 = vector.shape_cast %reduce_sum3A_259 : vector<256xf32> to vector<256x1xf32>
    %div3A_261 = arith.constant 6.400000e+01 : f32
    %div3A_262 = vector.broadcast %div3A_261 : f32 to vector<256x1xf32>
    %div3A_263 = arith.divf %broadcast_in_dim3A_260, %div3A_262 : vector<256x1xf32>
    %sub3A_264 = vector.broadcast %div3A_263 : vector<256x1xf32> to vector<256x64xf32>
    %sub3A_265 = arith.subf %add3A_249, %sub3A_264 : vector<256x64xf32>
    %sub3A_266 = vector.broadcast %div3A_263 : vector<256x1xf32> to vector<256x64xf32>
    %sub3A_267 = arith.subf %add3A_249, %sub3A_266 : vector<256x64xf32>
    %mul3A_268 = arith.mulf %sub3A_265, %sub3A_267 : vector<256x64xf32>
    %reduce_sum3A_269 = arith.constant dense<0.000000e+00> : vector<256xf32>
    %reduce_sum3A_270 = vector.multi_reduction <add>, %mul3A_268, %reduce_sum3A_269 [1] : vector<256x64xf32> to vector<256xf32>
    %broadcast_in_dim3A_271 = vector.shape_cast %reduce_sum3A_270 : vector<256xf32> to vector<256x1xf32>
    %div3A_272 = arith.constant 6.400000e+01 : f32
    %div3A_273 = vector.broadcast %div3A_272 : f32 to vector<256x1xf32>
    %div3A_274 = arith.divf %broadcast_in_dim3A_271, %div3A_273 : vector<256x1xf32>
    %sub3A_275 = vector.broadcast %div3A_263 : vector<256x1xf32> to vector<256x64xf32>
    %sub3A_276 = arith.subf %add3A_249, %sub3A_275 : vector<256x64xf32>
    %add3A_277 = arith.constant 9.99999974E-6 : f32
    %add3A_278 = vector.broadcast %add3A_277 : f32 to vector<256x1xf32>
    %add3A_279 = arith.addf %div3A_274, %add3A_278 : vector<256x1xf32>
    %sqrt3A_280 = math.sqrt %add3A_279 : vector<256x1xf32>
    %div3A_281 = vector.broadcast %sqrt3A_280 : vector<256x1xf32> to vector<256x64xf32>
    %div3A_282 = arith.divf %sub3A_276, %div3A_281 : vector<256x64xf32>
    %broadcast_in_dim3A_283 = vector.shape_cast %get3A_253 : vector<64xf32> to vector<1x64xf32>
    %mul3A_284 = vector.broadcast %broadcast_in_dim3A_283 : vector<1x64xf32> to vector<256x64xf32>
    %mul3A_285 = arith.mulf %div3A_282, %mul3A_284 : vector<256x64xf32>
    %broadcast_in_dim3A_286 = vector.shape_cast %get3A_257 : vector<64xf32> to vector<1x64xf32>
    %add3A_287 = vector.broadcast %broadcast_in_dim3A_286 : vector<1x64xf32> to vector<256x64xf32>
    %add3A_288 = arith.addf %mul3A_285, %add3A_287 : vector<256x64xf32>
    %get3A_289 = arith.constant 1 : index
    %get3A_290 = arith.constant 0 : index
    %get3A_291 = arith.constant 0 : index
    %get3A_292 = vector.load %arg5[%get3A_289, %get3A_290, %get3A_291] : memref<2x64x192xf32, #tpu.memory_space<vmem>>, vector<1x64x192xf32>
    %get3A_293 = vector.shape_cast %get3A_292 : vector<1x64x192xf32> to vector<64x192xf32>
    %dot_general3A_294 = arith.constant dense<0.000000e+00> : vector<256x192xf32>
    %dot_general3A_295 = tpu.matmul %add3A_288, %get3A_293, %dot_general3A_294 {dimension_numbers = #tpu.dot_dimension_numbers<[1], [0], [0], [1], [0, 0, 1, 1], [], []>, transpose_lhs_hint = false} : vector<256x64xf32>, vector<64x192xf32>, vector<256x192xf32> -> vector<256x192xf32>
    %get3A_296 = arith.constant 1 : index
    %get3A_297 = arith.constant 0 : index
    %get3A_298 = vector.load %arg6[%get3A_296, %get3A_297] : memref<2x192xf32, #tpu.memory_space<vmem>>, vector<1x192xf32>
    %get3A_299 = vector.shape_cast %get3A_298 : vector<1x192xf32> to vector<192xf32>
    %broadcast_in_dim3A_300 = vector.shape_cast %get3A_299 : vector<192xf32> to vector<1x192xf32>
    %add3A_301 = vector.broadcast %broadcast_in_dim3A_300 : vector<1x192xf32> to vector<256x192xf32>
    %add3A_302 = arith.addf %dot_general3A_295, %add3A_301 : vector<256x192xf32>
    %slice3A_303 = vector.extract_strided_slice %add3A_302 {offsets = [0, 0], sizes = [256, 64], strides = [1, 1]} : vector<256x192xf32> to vector<256x64xf32>
    %slice3A_304 = vector.extract_strided_slice %add3A_302 {offsets = [0, 64], sizes = [256, 64], strides = [1, 1]} : vector<256x192xf32> to vector<256x64xf32>
    %slice3A_305 = vector.extract_strided_slice %add3A_302 {offsets = [0, 128], sizes = [256, 64], strides = [1, 1]} : vector<256x192xf32> to vector<256x64xf32>
    %eq3A_306 = arith.constant 0 : i32
    %eq3A_307 = vector.broadcast %eq3A_306 : i32 to vector<256x64xi32>
    %eq3A_308 = arith.cmpi eq, %select_n3A, %eq3A_307 : vector<256x64xi32>
    %jit3A_309 = arith.constant 0.000000e+00 : f32
    %broadcast_in_dim3A_310 = vector.broadcast %jit3A_309 : f32 to vector<256x64xf32>
    %select_n3A_311 = arith.select %eq3A_308, %slice3A_303, %broadcast_in_dim3A_310 : vector<256x64xi1>, vector<256x64xf32>
    %eq3A_312 = arith.constant 1 : i32
    %eq3A_313 = vector.broadcast %eq3A_312 : i32 to vector<256x64xi32>
    %eq3A_314 = arith.cmpi eq, %select_n3A, %eq3A_313 : vector<256x64xi32>
    %jit3A_315 = arith.constant 0.000000e+00 : f32
    %broadcast_in_dim3A_316 = vector.broadcast %jit3A_315 : f32 to vector<256x64xf32>
    %select_n3A_317 = arith.select %eq3A_314, %slice3A_303, %broadcast_in_dim3A_316 : vector<256x64xi1>, vector<256x64xf32>
    %eq3A_318 = arith.constant 2 : i32
    %eq3A_319 = vector.broadcast %eq3A_318 : i32 to vector<256x64xi32>
    %eq3A_320 = arith.cmpi eq, %select_n3A, %eq3A_319 : vector<256x64xi32>
    %jit3A_321 = arith.constant 0.000000e+00 : f32
    %broadcast_in_dim3A_322 = vector.broadcast %jit3A_321 : f32 to vector<256x64xf32>
    %select_n3A_323 = arith.select %eq3A_320, %slice3A_303, %broadcast_in_dim3A_322 : vector<256x64xi1>, vector<256x64xf32>
    %eq3A_324 = arith.constant 3 : i32
    %eq3A_325 = vector.broadcast %eq3A_324 : i32 to vector<256x64xi32>
    %eq3A_326 = arith.cmpi eq, %select_n3A, %eq3A_325 : vector<256x64xi32>
    %jit3A_327 = arith.constant 0.000000e+00 : f32
    %broadcast_in_dim3A_328 = vector.broadcast %jit3A_327 : f32 to vector<256x64xf32>
    %select_n3A_329 = arith.select %eq3A_326, %slice3A_303, %broadcast_in_dim3A_328 : vector<256x64xi1>, vector<256x64xf32>
    %concatenate3A_330 = tpu.concatenate %select_n3A_311, %select_n3A_317, %select_n3A_323, %select_n3A_329 in 0 : vector<256x64xf32>, vector<256x64xf32>, vector<256x64xf32>, vector<256x64xf32> -> vector<1024x64xf32>
    %dot_general3A_331 = arith.constant dense<0.000000e+00> : vector<1024x256xf32>
    %dot_general3A_332 = tpu.matmul %concatenate3A_330, %slice3A_304, %dot_general3A_331 {dimension_numbers = #tpu.dot_dimension_numbers<[1], [1], [0], [0], [0, 0, 1, 0], [], []>, transpose_lhs_hint = false} : vector<1024x64xf32>, vector<256x64xf32>, vector<1024x256xf32> -> vector<1024x256xf32>
    %mul3A_333 = arith.constant 2.500000e-01 : f32
    %mul3A_334 = vector.broadcast %mul3A_333 : f32 to vector<1024x256xf32>
    %mul3A_335 = arith.mulf %dot_general3A_332, %mul3A_334 : vector<1024x256xf32>
    %reduce_max3A_336 = arith.constant dense<0xFF800000> : vector<1024xf32>
    %reduce_max3A_337 = vector.multi_reduction <maximumf>, %mul3A_335, %reduce_max3A_336 [1] : vector<1024x256xf32> to vector<1024xf32>
    %broadcast_in_dim3A_338 = vector.shape_cast %reduce_max3A_337 : vector<1024xf32> to vector<1024x1xf32>
    %sub3A_339 = vector.broadcast %broadcast_in_dim3A_338 : vector<1024x1xf32> to vector<1024x256xf32>
    %sub3A_340 = arith.subf %mul3A_335, %sub3A_339 : vector<1024x256xf32>
    %exp3A_341 = math.exp %sub3A_340 : vector<1024x256xf32>
    %reduce_sum3A_342 = arith.constant dense<0.000000e+00> : vector<1024xf32>
    %reduce_sum3A_343 = vector.multi_reduction <add>, %exp3A_341, %reduce_sum3A_342 [1] : vector<1024x256xf32> to vector<1024xf32>
    %broadcast_in_dim3A_344 = vector.shape_cast %reduce_sum3A_343 : vector<1024xf32> to vector<1024x1xf32>
    %div3A_345 = vector.broadcast %broadcast_in_dim3A_344 : vector<1024x1xf32> to vector<1024x256xf32>
    %div3A_346 = arith.divf %exp3A_341, %div3A_345 : vector<1024x256xf32>
    %dot_general3A_347 = arith.constant dense<0.000000e+00> : vector<1024x64xf32>
    %dot_general3A_348 = tpu.matmul %div3A_346, %slice3A_305, %dot_general3A_347 {dimension_numbers = #tpu.dot_dimension_numbers<[1], [0], [0], [1], [0, 0, 1, 1], [], []>, transpose_lhs_hint = false} : vector<1024x256xf32>, vector<256x64xf32>, vector<1024x64xf32> -> vector<1024x64xf32>
    %broadcast_in_dim3A_349 = arith.constant 0.000000e+00 : f32
    %broadcast_in_dim3A_350 = vector.broadcast %broadcast_in_dim3A_349 : f32 to vector<256x64xf32>
    %eq3A_351 = arith.constant 0 : i32
    %eq3A_352 = vector.broadcast %eq3A_351 : i32 to vector<256x64xi32>
    %eq3A_353 = arith.cmpi eq, %select_n3A, %eq3A_352 : vector<256x64xi32>
    %slice3A_354 = vector.extract_strided_slice %dot_general3A_348 {offsets = [0, 0], sizes = [256, 64], strides = [1, 1]} : vector<1024x64xf32> to vector<256x64xf32>
    %jit3A_355 = arith.constant 0.000000e+00 : f32
    %broadcast_in_dim3A_356 = vector.broadcast %jit3A_355 : f32 to vector<256x64xf32>
    %select_n3A_357 = arith.select %eq3A_353, %slice3A_354, %broadcast_in_dim3A_356 : vector<256x64xi1>, vector<256x64xf32>
    %add3A_358 = arith.addf %broadcast_in_dim3A_350, %select_n3A_357 : vector<256x64xf32>
    %eq3A_359 = arith.constant 1 : i32
    %eq3A_360 = vector.broadcast %eq3A_359 : i32 to vector<256x64xi32>
    %eq3A_361 = arith.cmpi eq, %select_n3A, %eq3A_360 : vector<256x64xi32>
    %slice3A_362 = vector.extract_strided_slice %dot_general3A_348 {offsets = [256, 0], sizes = [256, 64], strides = [1, 1]} : vector<1024x64xf32> to vector<256x64xf32>
    %jit3A_363 = arith.constant 0.000000e+00 : f32
    %broadcast_in_dim3A_364 = vector.broadcast %jit3A_363 : f32 to vector<256x64xf32>
    %select_n3A_365 = arith.select %eq3A_361, %slice3A_362, %broadcast_in_dim3A_364 : vector<256x64xi1>, vector<256x64xf32>
    %add3A_366 = arith.addf %add3A_358, %select_n3A_365 : vector<256x64xf32>
    %eq3A_367 = arith.constant 2 : i32
    %eq3A_368 = vector.broadcast %eq3A_367 : i32 to vector<256x64xi32>
    %eq3A_369 = arith.cmpi eq, %select_n3A, %eq3A_368 : vector<256x64xi32>
    %slice3A_370 = vector.extract_strided_slice %dot_general3A_348 {offsets = [512, 0], sizes = [256, 64], strides = [1, 1]} : vector<1024x64xf32> to vector<256x64xf32>
    %jit3A_371 = arith.constant 0.000000e+00 : f32
    %broadcast_in_dim3A_372 = vector.broadcast %jit3A_371 : f32 to vector<256x64xf32>
    %select_n3A_373 = arith.select %eq3A_369, %slice3A_370, %broadcast_in_dim3A_372 : vector<256x64xi1>, vector<256x64xf32>
    %add3A_374 = arith.addf %add3A_366, %select_n3A_373 : vector<256x64xf32>
    %eq3A_375 = arith.constant 3 : i32
    %eq3A_376 = vector.broadcast %eq3A_375 : i32 to vector<256x64xi32>
    %eq3A_377 = arith.cmpi eq, %select_n3A, %eq3A_376 : vector<256x64xi32>
    %slice3A_378 = vector.extract_strided_slice %dot_general3A_348 {offsets = [768, 0], sizes = [256, 64], strides = [1, 1]} : vector<1024x64xf32> to vector<256x64xf32>
    %jit3A_379 = arith.constant 0.000000e+00 : f32
    %broadcast_in_dim3A_380 = vector.broadcast %jit3A_379 : f32 to vector<256x64xf32>
    %select_n3A_381 = arith.select %eq3A_377, %slice3A_378, %broadcast_in_dim3A_380 : vector<256x64xi1>, vector<256x64xf32>
    %add3A_382 = arith.addf %add3A_374, %select_n3A_381 : vector<256x64xf32>
    %get3A_383 = arith.constant 1 : index
    %get3A_384 = arith.constant 0 : index
    %get3A_385 = arith.constant 0 : index
    %get3A_386 = vector.load %arg7[%get3A_383, %get3A_384, %get3A_385] : memref<2x64x64xf32, #tpu.memory_space<vmem>>, vector<1x64x64xf32>
    %get3A_387 = vector.shape_cast %get3A_386 : vector<1x64x64xf32> to vector<64x64xf32>
    %dot_general3A_388 = arith.constant dense<0.000000e+00> : vector<256x64xf32>
    %dot_general3A_389 = tpu.matmul %add3A_382, %get3A_387, %dot_general3A_388 {dimension_numbers = #tpu.dot_dimension_numbers<[1], [0], [0], [1], [0, 0, 1, 1], [], []>, transpose_lhs_hint = false} : vector<256x64xf32>, vector<64x64xf32>, vector<256x64xf32> -> vector<256x64xf32>
    %add3A_390 = arith.addf %add3A_249, %dot_general3A_389 : vector<256x64xf32>
    %get3A_391 = arith.constant 1 : index
    %get3A_392 = arith.constant 0 : index
    %get3A_393 = vector.load %arg8[%get3A_391, %get3A_392] : memref<2x64xf32, #tpu.memory_space<vmem>>, vector<1x64xf32>
    %get3A_394 = vector.shape_cast %get3A_393 : vector<1x64xf32> to vector<64xf32>
    %broadcast_in_dim3A_395 = vector.shape_cast %get3A_394 : vector<64xf32> to vector<1x64xf32>
    %add3A_396 = vector.broadcast %broadcast_in_dim3A_395 : vector<1x64xf32> to vector<256x64xf32>
    %add3A_397 = arith.addf %add3A_390, %add3A_396 : vector<256x64xf32>
    %get3A_398 = arith.constant 1 : index
    %get3A_399 = arith.constant 0 : index
    %get3A_400 = vector.load %arg9[%get3A_398, %get3A_399] : memref<2x64xf32, #tpu.memory_space<vmem>>, vector<1x64xf32>
    %get3A_401 = vector.shape_cast %get3A_400 : vector<1x64xf32> to vector<64xf32>
    %get3A_402 = arith.constant 1 : index
    %get3A_403 = arith.constant 0 : index
    %get3A_404 = vector.load %arg10[%get3A_402, %get3A_403] : memref<2x64xf32, #tpu.memory_space<vmem>>, vector<1x64xf32>
    %get3A_405 = vector.shape_cast %get3A_404 : vector<1x64xf32> to vector<64xf32>
    %reduce_sum3A_406 = arith.constant dense<0.000000e+00> : vector<256xf32>
    %reduce_sum3A_407 = vector.multi_reduction <add>, %add3A_397, %reduce_sum3A_406 [1] : vector<256x64xf32> to vector<256xf32>
    %broadcast_in_dim3A_408 = vector.shape_cast %reduce_sum3A_407 : vector<256xf32> to vector<256x1xf32>
    %div3A_409 = arith.constant 6.400000e+01 : f32
    %div3A_410 = vector.broadcast %div3A_409 : f32 to vector<256x1xf32>
    %div3A_411 = arith.divf %broadcast_in_dim3A_408, %div3A_410 : vector<256x1xf32>
    %sub3A_412 = vector.broadcast %div3A_411 : vector<256x1xf32> to vector<256x64xf32>
    %sub3A_413 = arith.subf %add3A_397, %sub3A_412 : vector<256x64xf32>
    %sub3A_414 = vector.broadcast %div3A_411 : vector<256x1xf32> to vector<256x64xf32>
    %sub3A_415 = arith.subf %add3A_397, %sub3A_414 : vector<256x64xf32>
    %mul3A_416 = arith.mulf %sub3A_413, %sub3A_415 : vector<256x64xf32>
    %reduce_sum3A_417 = arith.constant dense<0.000000e+00> : vector<256xf32>
    %reduce_sum3A_418 = vector.multi_reduction <add>, %mul3A_416, %reduce_sum3A_417 [1] : vector<256x64xf32> to vector<256xf32>
    %broadcast_in_dim3A_419 = vector.shape_cast %reduce_sum3A_418 : vector<256xf32> to vector<256x1xf32>
    %div3A_420 = arith.constant 6.400000e+01 : f32
    %div3A_421 = vector.broadcast %div3A_420 : f32 to vector<256x1xf32>
    %div3A_422 = arith.divf %broadcast_in_dim3A_419, %div3A_421 : vector<256x1xf32>
    %sub3A_423 = vector.broadcast %div3A_411 : vector<256x1xf32> to vector<256x64xf32>
    %sub3A_424 = arith.subf %add3A_397, %sub3A_423 : vector<256x64xf32>
    %add3A_425 = arith.constant 9.99999974E-6 : f32
    %add3A_426 = vector.broadcast %add3A_425 : f32 to vector<256x1xf32>
    %add3A_427 = arith.addf %div3A_422, %add3A_426 : vector<256x1xf32>
    %sqrt3A_428 = math.sqrt %add3A_427 : vector<256x1xf32>
    %div3A_429 = vector.broadcast %sqrt3A_428 : vector<256x1xf32> to vector<256x64xf32>
    %div3A_430 = arith.divf %sub3A_424, %div3A_429 : vector<256x64xf32>
    %broadcast_in_dim3A_431 = vector.shape_cast %get3A_401 : vector<64xf32> to vector<1x64xf32>
    %mul3A_432 = vector.broadcast %broadcast_in_dim3A_431 : vector<1x64xf32> to vector<256x64xf32>
    %mul3A_433 = arith.mulf %div3A_430, %mul3A_432 : vector<256x64xf32>
    %broadcast_in_dim3A_434 = vector.shape_cast %get3A_405 : vector<64xf32> to vector<1x64xf32>
    %add3A_435 = vector.broadcast %broadcast_in_dim3A_434 : vector<1x64xf32> to vector<256x64xf32>
    %add3A_436 = arith.addf %mul3A_433, %add3A_435 : vector<256x64xf32>
    %get3A_437 = arith.constant 1 : index
    %get3A_438 = arith.constant 0 : index
    %get3A_439 = arith.constant 0 : index
    %get3A_440 = vector.load %arg11[%get3A_437, %get3A_438, %get3A_439] : memref<2x64x256xf32, #tpu.memory_space<vmem>>, vector<1x64x256xf32>
    %get3A_441 = vector.shape_cast %get3A_440 : vector<1x64x256xf32> to vector<64x256xf32>
    %dot_general3A_442 = arith.constant dense<0.000000e+00> : vector<256x256xf32>
    %dot_general3A_443 = tpu.matmul %add3A_436, %get3A_441, %dot_general3A_442 {dimension_numbers = #tpu.dot_dimension_numbers<[1], [0], [0], [1], [0, 0, 1, 1], [], []>, transpose_lhs_hint = false} : vector<256x64xf32>, vector<64x256xf32>, vector<256x256xf32> -> vector<256x256xf32>
    %get3A_444 = arith.constant 1 : index
    %get3A_445 = arith.constant 0 : index
    %get3A_446 = vector.load %arg12[%get3A_444, %get3A_445] : memref<2x256xf32, #tpu.memory_space<vmem>>, vector<1x256xf32>
    %get3A_447 = vector.shape_cast %get3A_446 : vector<1x256xf32> to vector<256xf32>
    %broadcast_in_dim3A_448 = vector.shape_cast %get3A_447 : vector<256xf32> to vector<1x256xf32>
    %add3A_449 = vector.broadcast %broadcast_in_dim3A_448 : vector<1x256xf32> to vector<256x256xf32>
    %add3A_450 = arith.addf %dot_general3A_443, %add3A_449 : vector<256x256xf32>
    %mul3A_451 = arith.constant 5.000000e-01 : f32
    %mul3A_452 = vector.broadcast %mul3A_451 : f32 to vector<256x256xf32>
    %mul3A_453 = arith.mulf %mul3A_452, %add3A_450 : vector<256x256xf32>
    %mul3A_454 = arith.mulf %add3A_450, %add3A_450 : vector<256x256xf32>
    %mul3A_455 = arith.mulf %mul3A_454, %add3A_450 : vector<256x256xf32>
    %mul3A_456 = arith.constant 4.471500e-02 : f32
    %mul3A_457 = vector.broadcast %mul3A_456 : f32 to vector<256x256xf32>
    %mul3A_458 = arith.mulf %mul3A_457, %mul3A_455 : vector<256x256xf32>
    %add3A_459 = arith.addf %add3A_450, %mul3A_458 : vector<256x256xf32>
    %mul3A_460 = arith.constant 0.797884583 : f32
    %mul3A_461 = vector.broadcast %mul3A_460 : f32 to vector<256x256xf32>
    %mul3A_462 = arith.mulf %mul3A_461, %add3A_459 : vector<256x256xf32>
    %tanh3A_463 = math.tanh %mul3A_462 : vector<256x256xf32>
    %add3A_464 = arith.constant 1.000000e+00 : f32
    %add3A_465 = vector.broadcast %add3A_464 : f32 to vector<256x256xf32>
    %add3A_466 = arith.addf %add3A_465, %tanh3A_463 : vector<256x256xf32>
    %mul3A_467 = arith.mulf %mul3A_453, %add3A_466 : vector<256x256xf32>
    %get3A_468 = arith.constant 1 : index
    %get3A_469 = arith.constant 0 : index
    %get3A_470 = arith.constant 0 : index
    %get3A_471 = vector.load %arg13[%get3A_468, %get3A_469, %get3A_470] : memref<2x256x64xf32, #tpu.memory_space<vmem>>, vector<1x256x64xf32>
    %get3A_472 = vector.shape_cast %get3A_471 : vector<1x256x64xf32> to vector<256x64xf32>
    %dot_general3A_473 = arith.constant dense<0.000000e+00> : vector<256x64xf32>
    %dot_general3A_474 = tpu.matmul %mul3A_467, %get3A_472, %dot_general3A_473 {dimension_numbers = #tpu.dot_dimension_numbers<[1], [0], [0], [1], [0, 0, 1, 1], [], []>, transpose_lhs_hint = false} : vector<256x256xf32>, vector<256x64xf32>, vector<256x64xf32> -> vector<256x64xf32>
    %add3A_475 = arith.addf %add3A_397, %dot_general3A_474 : vector<256x64xf32>
    %get3A_476 = arith.constant 1 : index
    %get3A_477 = arith.constant 0 : index
    %get3A_478 = vector.load %arg14[%get3A_476, %get3A_477] : memref<2x64xf32, #tpu.memory_space<vmem>>, vector<1x64xf32>
    %get3A_479 = vector.shape_cast %get3A_478 : vector<1x64xf32> to vector<64xf32>
    %broadcast_in_dim3A_480 = vector.shape_cast %get3A_479 : vector<64xf32> to vector<1x64xf32>
    %add3A_481 = vector.broadcast %broadcast_in_dim3A_480 : vector<1x64xf32> to vector<256x64xf32>
    %add3A_482 = arith.addf %add3A_475, %add3A_481 : vector<256x64xf32>
    %get3A_483 = arith.constant 0 : index
    %get3A_484 = vector.load %arg15[%get3A_483] : memref<64xf32, #tpu.memory_space<vmem>>, vector<64xf32>
    %get3A_485 = arith.constant 0 : index
    %get3A_486 = vector.load %arg16[%get3A_485] : memref<64xf32, #tpu.memory_space<vmem>>, vector<64xf32>
    %reduce_sum3A_487 = arith.constant dense<0.000000e+00> : vector<256xf32>
    %reduce_sum3A_488 = vector.multi_reduction <add>, %add3A_482, %reduce_sum3A_487 [1] : vector<256x64xf32> to vector<256xf32>
    %broadcast_in_dim3A_489 = vector.shape_cast %reduce_sum3A_488 : vector<256xf32> to vector<256x1xf32>
    %div3A_490 = arith.constant 6.400000e+01 : f32
    %div3A_491 = vector.broadcast %div3A_490 : f32 to vector<256x1xf32>
    %div3A_492 = arith.divf %broadcast_in_dim3A_489, %div3A_491 : vector<256x1xf32>
    %sub3A_493 = vector.broadcast %div3A_492 : vector<256x1xf32> to vector<256x64xf32>
    %sub3A_494 = arith.subf %add3A_482, %sub3A_493 : vector<256x64xf32>
    %sub3A_495 = vector.broadcast %div3A_492 : vector<256x1xf32> to vector<256x64xf32>
    %sub3A_496 = arith.subf %add3A_482, %sub3A_495 : vector<256x64xf32>
    %mul3A_497 = arith.mulf %sub3A_494, %sub3A_496 : vector<256x64xf32>
    %reduce_sum3A_498 = arith.constant dense<0.000000e+00> : vector<256xf32>
    %reduce_sum3A_499 = vector.multi_reduction <add>, %mul3A_497, %reduce_sum3A_498 [1] : vector<256x64xf32> to vector<256xf32>
    %broadcast_in_dim3A_500 = vector.shape_cast %reduce_sum3A_499 : vector<256xf32> to vector<256x1xf32>
    %div3A_501 = arith.constant 6.400000e+01 : f32
    %div3A_502 = vector.broadcast %div3A_501 : f32 to vector<256x1xf32>
    %div3A_503 = arith.divf %broadcast_in_dim3A_500, %div3A_502 : vector<256x1xf32>
    %sub3A_504 = vector.broadcast %div3A_492 : vector<256x1xf32> to vector<256x64xf32>
    %sub3A_505 = arith.subf %add3A_482, %sub3A_504 : vector<256x64xf32>
    %add3A_506 = arith.constant 9.99999974E-6 : f32
    %add3A_507 = vector.broadcast %add3A_506 : f32 to vector<256x1xf32>
    %add3A_508 = arith.addf %div3A_503, %add3A_507 : vector<256x1xf32>
    %sqrt3A_509 = math.sqrt %add3A_508 : vector<256x1xf32>
    %div3A_510 = vector.broadcast %sqrt3A_509 : vector<256x1xf32> to vector<256x64xf32>
    %div3A_511 = arith.divf %sub3A_505, %div3A_510 : vector<256x64xf32>
    %broadcast_in_dim3A_512 = vector.shape_cast %get3A_484 : vector<64xf32> to vector<1x64xf32>
    %mul3A_513 = vector.broadcast %broadcast_in_dim3A_512 : vector<1x64xf32> to vector<256x64xf32>
    %mul3A_514 = arith.mulf %div3A_511, %mul3A_513 : vector<256x64xf32>
    %broadcast_in_dim3A_515 = vector.shape_cast %get3A_486 : vector<64xf32> to vector<1x64xf32>
    %add3A_516 = vector.broadcast %broadcast_in_dim3A_515 : vector<1x64xf32> to vector<256x64xf32>
    %add3A_517 = arith.addf %mul3A_514, %add3A_516 : vector<256x64xf32>
    %get3A_518 = arith.constant 0 : index
    %get3A_519 = arith.constant 0 : index
    %get3A_520 = vector.load %arg17[%get3A_518, %get3A_519] : memref<64x588xf32, #tpu.memory_space<vmem>>, vector<64x588xf32>
    %dot_general3A_521 = arith.constant dense<0.000000e+00> : vector<256x588xf32>
    %dot_general3A_522 = tpu.matmul %add3A_517, %get3A_520, %dot_general3A_521 {dimension_numbers = #tpu.dot_dimension_numbers<[1], [0], [0], [1], [0, 0, 1, 1], [], []>, transpose_lhs_hint = false} : vector<256x64xf32>, vector<64x588xf32>, vector<256x588xf32> -> vector<256x588xf32>
    %get3A_523 = arith.constant 0 : index
    %get3A_524 = vector.load %arg18[%get3A_523] : memref<588xf32, #tpu.memory_space<vmem>>, vector<588xf32>
    %broadcast_in_dim3A_525 = vector.shape_cast %get3A_524 : vector<588xf32> to vector<1x588xf32>
    %add3A_526 = vector.broadcast %broadcast_in_dim3A_525 : vector<1x588xf32> to vector<256x588xf32>
    %add3A_527 = arith.addf %dot_general3A_522, %add3A_526 : vector<256x588xf32>
    %swap3A = arith.constant 0 : index
    %swap3A_528 = arith.constant 0 : index
    %swap3A_529 = vector.load %arg19[%swap3A, %swap3A_528] : memref<256x588xf32, #tpu.memory_space<vmem>>, vector<256x588xf32>
    tpu.vector_store %arg19[%swap3A, %swap3A_528], %add3A_527 {strides = array<i32>} : memref<256x588xf32, #tpu.memory_space<vmem>>, vector<256x588xf32>,
    return
  }
  func.func @transform_0(%arg0: i32) -> (i32, i32) {
    %c0_i32 = arith.constant 0 : i32
    %c0_i32_0 = arith.constant 0 : i32
    return %arg0, %c0_i32 : i32, i32
  }
  func.func @transform_1(%arg0: i32) -> (i32, i32) {
    %c0_i32 = arith.constant 0 : i32
    %c0_i32_0 = arith.constant 0 : i32
    %c0_i32_1 = arith.constant 0 : i32
    return %c0_i32, %c0_i32_0 : i32, i32
  }
  func.func @transform_2(%arg0: i32) -> (i32, i32) {
    %c0_i32 = arith.constant 0 : i32
    %c0_i32_0 = arith.constant 0 : i32
    %c0_i32_1 = arith.constant 0 : i32
    return %c0_i32, %c0_i32_0 : i32, i32
  }
  func.func @transform_3(%arg0: i32) -> (i32, i32) {
    %c0_i32 = arith.constant 0 : i32
    %c0_i32_0 = arith.constant 0 : i32
    %c0_i32_1 = arith.constant 0 : i32
    return %c0_i32, %c0_i32_0 : i32, i32
  }
  func.func @transform_4(%arg0: i32) -> (i32, i32, i32) {
    %c0_i32 = arith.constant 0 : i32
    %c0_i32_0 = arith.constant 0 : i32
    %c0_i32_1 = arith.constant 0 : i32
    %c0_i32_2 = arith.constant 0 : i32
    return %c0_i32, %c0_i32_0, %c0_i32_1 : i32, i32, i32
  }
  func.func @transform_5(%arg0: i32) -> (i32, i32) {
    %c0_i32 = arith.constant 0 : i32
    %c0_i32_0 = arith.constant 0 : i32
    %c0_i32_1 = arith.constant 0 : i32
    return %c0_i32, %c0_i32_0 : i32, i32
  }
  func.func @transform_6(%arg0: i32) -> (i32, i32, i32) {
    %c0_i32 = arith.constant 0 : i32
    %c0_i32_0 = arith.constant 0 : i32
    %c0_i32_1 = arith.constant 0 : i32
    %c0_i32_2 = arith.constant 0 : i32
    return %c0_i32, %c0_i32_0, %c0_i32_1 : i32, i32, i32
  }
  func.func @transform_7(%arg0: i32) -> (i32, i32) {
    %c0_i32 = arith.constant 0 : i32
    %c0_i32_0 = arith.constant 0 : i32
    %c0_i32_1 = arith.constant 0 : i32
    return %c0_i32, %c0_i32_0 : i32, i32
  }
  func.func @transform_8(%arg0: i32) -> (i32, i32) {
    %c0_i32 = arith.constant 0 : i32
    %c0_i32_0 = arith.constant 0 : i32
    %c0_i32_1 = arith.constant 0 : i32
    return %c0_i32, %c0_i32_0 : i32, i32
  }
  func.func @transform_9(%arg0: i32) -> (i32, i32) {
    %c0_i32 = arith.constant 0 : i32
    %c0_i32_0 = arith.constant 0 : i32
    %c0_i32_1 = arith.constant 0 : i32
    return %c0_i32, %c0_i32_0 : i32, i32
  }
  func.func @transform_10(%arg0: i32) -> (i32, i32, i32) {
    %c0_i32 = arith.constant 0 : i32
    %c0_i32_0 = arith.constant 0 : i32
    %c0_i32_1 = arith.constant 0 : i32
    %c0_i32_2 = arith.constant 0 : i32
    return %c0_i32, %c0_i32_0, %c0_i32_1 : i32, i32, i32
  }
  func.func @transform_11(%arg0: i32) -> (i32, i32) {
    %c0_i32 = arith.constant 0 : i32
    %c0_i32_0 = arith.constant 0 : i32
    %c0_i32_1 = arith.constant 0 : i32
    return %c0_i32, %c0_i32_0 : i32, i32
  }
  func.func @transform_12(%arg0: i32) -> (i32, i32, i32) {
    %c0_i32 = arith.constant 0 : i32
    %c0_i32_0 = arith.constant 0 : i32
    %c0_i32_1 = arith.constant 0 : i32
    %c0_i32_2 = arith.constant 0 : i32
    return %c0_i32, %c0_i32_0, %c0_i32_1 : i32, i32, i32
  }
  func.func @transform_13(%arg0: i32) -> (i32, i32) {
    %c0_i32 = arith.constant 0 : i32
    %c0_i32_0 = arith.constant 0 : i32
    %c0_i32_1 = arith.constant 0 : i32
    return %c0_i32, %c0_i32_0 : i32, i32
  }
  func.func @transform_14(%arg0: i32) -> i32 {
    %c0_i32 = arith.constant 0 : i32
    %c0_i32_0 = arith.constant 0 : i32
    return %c0_i32 : i32
  }
  func.func @transform_15(%arg0: i32) -> i32 {
    %c0_i32 = arith.constant 0 : i32
    %c0_i32_0 = arith.constant 0 : i32
    return %c0_i32 : i32
  }
  func.func @transform_16(%arg0: i32) -> (i32, i32) {
    %c0_i32 = arith.constant 0 : i32
    %c0_i32_0 = arith.constant 0 : i32
    %c0_i32_1 = arith.constant 0 : i32
    return %c0_i32, %c0_i32_0 : i32, i32
  }
  func.func @transform_17(%arg0: i32) -> i32 {
    %c0_i32 = arith.constant 0 : i32
    %c0_i32_0 = arith.constant 0 : i32
    return %c0_i32 : i32
  }
  func.func @transform_18(%arg0: i32) -> (i32, i32) {
    %c0_i32 = arith.constant 0 : i32
    %c0_i32_0 = arith.constant 0 : i32
    return %arg0, %c0_i32 : i32, i32
  }
}

</mosaic_0001>

<sc_bundles>
// kernel: _run.5.cloned.1.call-start
scs
__scs_entry_jumppad:
0x0: {  	(pc) =	sbr.rel $0x88, $3  }
0x1: {  	(tag) =	ssettag $0x0;
	lr =	simm.s32 $0x1  }
0x2: {  	[smem:$0x3F8E] =	sst lr;
	_ =	strace $0xD0000000  }
0x3: {  	_ = 	snop  }
0x4: {  	_ = 	snop  }
0x5: {  	_ = 	snop  }
0x6: {  	_ = 	snop  }
0x7: {  	_ = 	snop  }
__scs_overlays_trampoline_lowered:
0x8: {  	[smem:$0x3F9D] =	sst s0  }
0x9: {  	[smem:$0x3F9E] =	sst s1  }
0xa: {  	[smem:$0x3F9F] =	sst s2  }
0xb: {  	[smem:$0x3FA0] =	sst s3  }
0xc: {  	[smem:$0x3FA1] =	sst s4  }
0xd: {  	[smem:$0x3FA2] =	sst s5  }
0xe: {  	[smem:$0x3FA3] =	sst s6  }
0xf: {  	[smem:$0x3FA4] =	sst s7  }
0x10: {  	[smem:$0x3FA5] =	sst s8  }
0x11: {  	[smem:$0x3FA6] =	sst s9;
	s0 =	simm.s32 @!p0 $0x0  }
0x12: {  	s1 =	sld [smem:$0x3F8C];
	s0 =	simm.s32 @p0 $0x1  }
0x13: {  	[smem:$0x3FA7] =	sst s0;
	s0 =	simm.s32 @!p1 $0x0  }
0x14: {  	s2 =	sld [smem:$0x3F8B];
	s0 =	simm.s32 @p1 $0x1  }
0x15: {  	[smem:$0x3FA8] =	sst s0;
	s0 =	simm.s32 @!p2 $0x0  }
0x16: {  	s3 =	sld [smem:$0x3FDB];
	s0 =	simm.s32 @p2 $0x1  }
0x17: {  	s4 =	simm.s32 $0x1BF5;
	[smem:$0x3FAA] =	sst s0  }
0x18: {  	s0 =	sld [smem:$0x3F8D];
	_ =	swait.ge [sflag:s4], $0x0  }
0x19: {  	s7 =	sld [smem:$0x3F8E]  }
0x1a: {  	s8 =	sadd.s32 $0xFFFFE003, lr  }
0x1b: {  	s9 =	sadd.s32 $0xFFFFFEF7, lr;
	s5 =	simm.s32 $0xFFFFFFFF;
	p2 =	slt.u32 s8, $0xFFFFF086  }
0x1c: {  	p1 =	slt.u32 s9, $0xF7A;
	s5 =	simm.s32 @!p2 $0x0  }
0x1d: {  	s5 =	simm.s32 @p1 $0x1;
	p0 =	seq.s32 s7, s2  }
0x1e: {  	s7 =	smul.u32 @!p0 $0xF7A, s2;
	p2 =	seq.s32 @!p0 s5, $0x0  }
0x1f: {  	s9 =	smul.u32 $0xF7A, s1;
	s8 =	simm.s32 @!p0 $0x1BF5;
	p2 =	por !p2, p0  }
0x20: {  	[sflag:s8] =	ssyncset.s32 @!p0 $0xFFFFF086;
	s6 =	sadd.s32 @!p0 s3, s7;
	s7 =	simm.s32 @!p0 $0x108  }
0x21: {  	s3 =	sadd.s32 s3, s9;
	s6 =	sadd.s32 @!p0 $0x88, s6;
	s7 =	simm.s32 @p2 $0x1082  }
0x22: {  	[simem:s7], [sflag:s8] =	dma.local @!p0 [hbm:s6], $0xF7A  }
0x23: {  	s9 =	sor.u32 $0xD0000000, s2;
	s6 =	simm.s32 $0x108;
	_ =	swait.ge @!p0 [sflag:s8], $0x0  }
0x24: {  	s3 =	sadd.s32 $0x88, s3;
	s6 =	simm.s32 @!p1 $0x1082;
	[sflag:s4] =	ssyncset.s32 $0xFFFFF086  }
0x25: {  	[simem:s6], [sflag:s4] =	dma.local [hbm:s3], $0xF7A  }
0x26: {  	[smem:$0x3F8E] =	sst s1;
	(tag) =	ssettag s2;
	_ =	strace s9  }
0x27: {  	s1 =	sld [smem:$0x3F9E]  }
0x28: {  	s2 =	sld [smem:$0x3F9F]  }
0x29: {  	s4 =	sld [smem:$0x3FA1]  }
0x2a: {  	p0 =	seq.s32 s5, $0x0;
	s5 =	sld [smem:$0x3FA2]  }
0x2b: {  	s6 =	sld [smem:$0x3FA3]  }
0x2c: {  	s7 =	sld [smem:$0x3FA4]  }
0x2d: {  	s3 =	simm.s32 $0x108;
	s8 =	sld [smem:$0x3FA5]  }
0x2e: {  	s3 =	simm.s32 @!p0 $0x1082;
	s9 =	sld [smem:$0x3FA6]  }
0x2f: {  	lr =	sadd.s32 s0, s3;
	s0 =	sld [smem:$0x3F9D]  }
0x30: {  	s3 =	sld [smem:$0x3FA0]  }
0x31: {  	[smem:$0x3FA9] =	sst s10  }
0x32: {  	s10 =	sld [smem:$0x3FA7];
	_ =	sdelay $0x3  }
0x33: {  	p0 =	seq.s32 s10, $0x1;
	s10 =	sld [smem:$0x3FA9];
	_ =	sdelay $0x3  }
0x34: {  	[smem:$0x3FA9] =	sst s10  }
0x35: {  	s10 =	sld [smem:$0x3FA8];
	_ =	sdelay $0x3  }
0x36: {  	p1 =	seq.s32 s10, $0x1;
	s10 =	sld [smem:$0x3FA9];
	_ =	sdelay $0x3  }
0x37: {  	[smem:$0x3FA9] =	sst s10  }
0x38: {  	s10 =	sld [smem:$0x3FAA]  }
0x39: {  	_ = 	snop;
	(pc) =	sbr.ind lr, $3  }
0x3a: {  	_ = 	snop  }
0x3b: {  	_ = 	snop  }
0x3c: {  	p2 =	seq.s32 s10, $0x1;
	s10 =	sld [smem:$0x3FA9]  }
0x3d: {  	_ =	shalt  }
0x3e: {  	_ =	shalt  }
0x3f: {  	_ =	shalt  }
0x40: {  	_ =	shalt  }
0x41: {  	_ =	shalt  }
0x42: {  	_ =	shalt  }
0x43: {  	_ =	shalt  }
0x44: {  	_ =	shalt  }
0x45: {  	_ =	shalt  }
0x46: {  	_ =	shalt  }
0x47: {  	_ =	shalt  }
0x48: {  	_ =	shalt  }
0x49: {  	_ =	shalt  }
0x4a: {  	_ =	shalt  }
0x4b: {  	_ =	shalt  }
0x4c: {  	_ =	shalt  }
0x4d: {  	_ =	shalt  }
0x4e: {  	_ =	shalt  }
0x4f: {  	_ =	shalt  }
0x50: {  	_ =	shalt  }
0x51: {  	_ =	shalt  }
0x52: {  	_ =	shalt  }
0x53: {  	_ =	shalt  }
0x54: {  	_ =	shalt  }
0x55: {  	_ =	shalt  }
0x56: {  	_ =	shalt  }
0x57: {  	_ =	shalt  }
0x58: {  	_ =	shalt  }
0x59: {  	_ =	shalt  }
0x5a: {  	_ =	shalt  }
0x5b: {  	_ =	shalt  }
0x5c: {  	_ =	shalt  }
0x5d: {  	_ =	shalt  }
0x5e: {  	_ =	shalt  }
0x5f: {  	_ =	shalt  }
0x60: {  	_ =	shalt  }
0x61: {  	_ =	shalt  }
0x62: {  	_ =	shalt  }
0x63: {  	_ =	shalt  }
0x64: {  	_ =	shalt  }
0x65: {  	_ =	shalt  }
0x66: {  	_ =	shalt  }
0x67: {  	_ =	shalt  }
0x68: {  	_ =	shalt  }
0x69: {  	_ =	shalt  }
0x6a: {  	_ =	shalt  }
0x6b: {  	_ =	shalt  }
0x6c: {  	_ =	shalt  }
0x6d: {  	_ =	shalt  }
0x6e: {  	_ =	shalt  }
0x6f: {  	_ =	shalt  }
0x70: {  	_ =	shalt  }
0x71: {  	_ =	shalt  }
0x72: {  	_ =	shalt  }
0x73: {  	_ =	shalt  }
0x74: {  	_ =	shalt  }
0x75: {  	_ =	shalt  }
0x76: {  	_ =	shalt  }
0x77: {  	_ =	shalt  }
0x78: {  	_ =	shalt  }
0x79: {  	_ =	shalt  }
0x7a: {  	_ =	shalt  }
0x7b: {  	_ =	shalt  }
0x7c: {  	_ =	shalt  }
0x7d: {  	_ =	shalt  }
0x7e: {  	_ =	shalt  }
0x7f: {  	_ =	shalt  }
0x80: {  	_ =	shalt  }
0x81: {  	_ =	shalt  }
0x82: {  	_ =	shalt  }
0x83: {  	_ =	shalt  }
0x84: {  	_ =	shalt  }
0x85: {  	_ =	shalt  }
0x86: {  	_ =	shalt  }
0x87: {  	_ =	shalt  }
.Lfunc_end0:
.L_simem_size_0:
called_computation_lowered:
.L_overlay_start_0:
0x88: {  	s2 =	sld [smem:$0x3FD9]  }
0x89: {  	s3 =	sld [smem:$0x3FFE];
	_ =	sdelay $0x1  }
0x8a: {  	s1 =	srdreg.scid  }
0x8b: {  	s0 =	sand.u32 $0x1, s1  }
0x8c: {  	s14 =	sshll.u32 s0, $0xA;
	s2 =	sadd.s32 s3, s2  }
0x8d: {  	s2 =	sadd.s32 s2, s14  }
0x8e: {  	[smem:$0x3FB5] =	sst s2  }
0x8f: {  	_ = 	snop  }
0x90: {  	s2 =	sld [smem:$0x3FD0];
	_ =	sdelay $0x2  }
0x91: {  	s15 =	simm.s32 $0xA;
	s4 =	simm.s32 $0x10  }
0x92: {  	[smem:s4], [sflag:s15] =	dma.local [hbm:s2], $0x1  }
0x93: {  	_ =	swait.eq [sflag:s15], $0x1  }
0x94: {  	[sflag:s15] =	ssyncset.done $0x0  }
0x95: {  	[sflag:s15] =	ssyncadd.s32 $0xFFFFFFFF  }
0x96: {  	s16 =	sld [smem:$0x11];
	(tm) =	ssettm $0x1  }
0x97: {  	s17 =	sld [smem:$0x3FFB];
	_ =	sdelay $0x3  }
0x98: {  	_ =	strace s17  }
0x99: {  	s3 =	sld [smem:$0x3FFC];
	_ =	sdelay $0x3  }
0x9a: {  	_ =	strace s3  }
0x9b: {  	s3 =	sld [smem:$0x3FFD];
	_ =	sdelay $0x3  }
0x9c: {  	_ =	strace s3  }
0x9d: {  	_ =	strace $0x8FFFFFFF  }
0x9e: {  	s18 =	sld [smem:$0x3FDB];
	_ =	sdelay $0x1  }
0x9f: {  	s19 =	simm.s32 $_scs_section_size  }
0xa0: {  	s5 =	simm.s32 $_size__tile_overlayer_lowered;
	s6 =	simm.s32 $_tile_overlayer_lowered  }
0xa1: {  	s22 =	simm.s32 $0x1BFF;
	s21 =	sshll.u32 s6, $0x1;
	s3 =	sadd.s32 s19, s18  }
0xa2: {  	s7 =	simm.s32 $0x0;
	s20 =	sshll.u32 s5, $0x1;
	s5 =	sadd.s32 s21, s3  }
0xa3: {  	[timem:s7], [sflag:s22] =	dma.local [hbm:s5], s20  }
0xa4: {  	_ =	swait.ge [sflag:s22], s20  }
0xa5: {  	s4 =	ssub.s32 $0x0, s20;
	[sflag:s22] =	ssyncset.done $0x0  }
0xa6: {  	[sflag:s22] =	ssyncadd.s32 s4;
	_ =	sdelay $0x1  }
0xa7: {  	s23 =	simm.s32 $0x1B8B  }
0xa8: {  	_ =	swait.ge [sflag:s23], $0x1  }
0xa9: {  	[sflag:s23] =	ssyncset.done $0x0  }
0xaa: {  	s25 =	simm.s32 $0x1B8E;
	s24 =	sld [smem:$0x3FFE];
	[sflag:s23] =	ssyncadd.s32 $0xFFFFFFFF  }
0xab: {  	s26 =	simm.s32 $execute0_lowered;
	[smem:$0x3FD2] =	sst s25  }
0xac: {  	s5 =	sshll.u32 s26, $0x1;
	_ =	strace $0x80000046;
	[dreg:$0x1] =	wrdreg $0xFFFFFFFF  }
0xad: {  	s28 =	simm.s32 $_size_execute0_lowered;
	s3 =	sadd.s32 s3, s5;
	[dreg:$0x0] =	wrdreg $0x0  }
0xae: {  	s5 =	sshll.u32 s28, $0x1;
	[dreg:$0x2] =	wrdreg s3  }
0xaf: {  	[dreg:$0x3] =	wrdreg s5  }
0xb0: {  	[dreg:$0x4] =	wrdreg $0xC0  }
0xb1: {  	_ =	task [dreg:s7], $0x5FFFF  }
0xb2: {  	[dreg:$0x1] =	wrdreg $0xFFFFFFFF  }
0xb3: {  	[dreg:$0x0] =	wrdreg $0x60  }
0xb4: {  	[dreg:$0x2] =	wrdreg s16  }
0xb5: {  	[dreg:$0x3] =	wrdreg s24  }
0xb6: {  	[dreg:$0x4] =	wrdreg $0x9  }
0xb7: {  	_ =	task.clear_ibuf [dreg:s7], $0x5FFFF;
	_ =	strace $0x90000046  }
0xb8: {  	s29 =	simm.s32 $0x9;
	_ =	strace $0x80000048  }
0xb9: {  	_ =	swait.ge [sflag:s29], $0x1  }
0xba: {  	[sflag:s29] =	ssyncadd.s32 $0xFFFFFFFF  }
0xbb: {  	_ =	strace $0x90000048  }
0xbc: {  	_ =	sfence  }
0xbd: {  	s30 =	sld [smem:$0x0];
	_ =	sdelay $0x2  }
0xbe: {  	s31 =	sshll.u32 s1, $0xD;
	s1 =	sshrl.u32 s1, $0x2  }
0xbf: {  	s3 =	sand.u32 $0x4000, s31;
	s1 =	sadd.s32 s1, s30  }
0xc0: {  	s0 =	sor.u32 s3, s0;
	s1 =	sshll.u32 s1, $0x11  }
0xc1: {  	s0 =	sor.u32 s1, s0  }
0xc2: {  	s0 =	sadd.s32 $0x8F2B, s0  }
0xc3: {  	[sflag:s0] =	ssyncadd.remote.s32 $0x1  }
0xc4: {  	_ =	sfence.sel $0xFFFF  }
0xc5: {  	[dreg:$0x0] =	wrdreg $0xFFFFFFFF;
	(pc) =	sbr.abs _section_cstart, $3  }
0xc6: {  	[dreg:$0x1] =	wrdreg $0xFFFFFFFF  }
0xc7: {  	_ =	task.clear_ibuf [dreg:s7], $0x2FFFF;
	_ =	strace $0x9FFFFFFF  }
0xc8: {  	(tm) =	ssettm $0x7FFFFFFF  }
0xc9: {  	_ =	shalt  }
tec
execute0_lowered:
.L_overlay_start_1:
0x0: {  	(tag) =	ssettag $0x1  }
0x1: {  	s1 =	srdreg.scid  }
0x2: {  	s0 =	stileid.u32;
	s6 =	sand.u32 $0x1, s1  }
0x3: {  	s2 =	rddreg [dreg:$0x0];
	s30 =	sshll.u32 s0, $0x6;
	s3 =	sshll.u32 s6, $0x5  }
0x4: {  	s8 =	rddreg [dreg:$0x1];
	s7 =	simm.s32 $0x1;
	s9 =	sor.u32 s3, s30  }
0x5: {  	s1 =	rddreg [dreg:$0x2];
	s3 =	simm.s32 $0x0;
	s4 =	sshrl.u32 s9, $0x3  }
0x6: {  	s10 =	ssub.s32 $0x2, s6;
	[smem:$0x7FF] =	sst s3;
	s4 =	sadd.s32 s4, s8  }
0x7: {  	_ =	strace $0x80000047;
	s5 =	sadd.s32 $0x2400, s4;
	s4 =	simm.s32 $0x2  }
0x8: {  	[tilespmem:s3], [sflag:$0x2] =	stream.linear.gather [hbm4b:s5+s3], $0x20, $0x38;
	[tilespmem:$0x820] =	vst v63  }
0x9: {  	s6 =	simm.s32 $0x20;
	s11 =	sshrl.u32 s10, $0x1;
	_ =	swait.ge [sflag:s4], $0x20  }
0xa: {  	s9 =	sshll.u32 s9, $0x3;
	s31 =	ssub.s32 s10, s11;
	[sflag:s4] =	ssyncset.done $0x0  }
0xb: {  	s8 =	sadd.s32 s9, s8;
	s9 =	smax.u32 s31, $0x1;
	[sflag:s4] =	ssyncadd.s32 $0xFFFFFFE0  }
0xc: {  	[tilespmem:s6], [sflag:$0x1] =	stream.indirect.gather [hbm4b:s2+s6], $0x40, s3, s6, $0xb8;
	[tilespmem:$0x820] =	vst v63  }
0xd: {  	p0 =	sne.s32 s9, $0x1;
	_ =	swait.ge [sflag:s7], $0x800  }
.Ltmp0:
0xe: {  	[sflag:s7] =	ssyncset.done $0x0;
	(pc) =	sbr.rel @!p0 .LBB2_2-.Ltmp0, $4  }
0xf: {  	s8 =	sadd.s32 $0x2600, s8;
	[sflag:s7] =	ssyncadd.s32 $0xFFFFF800  }
0x10: {  	[hbm4b:s8+s3] =	stream.linear.scatter [tilespmem:s6], [sflag:$0x2], $0x800, $0x38;
	[tilespmem:$0x820] =	vst v63  }
0x11: {  	_ =	swait.ge [sflag:s4], $0x800  }
0x12: {  	s9 =	sadd.s32 $0xFFFFFFFF, s9;
	[sflag:s4] =	ssyncset.done $0x0  }
.LBB2_1:
0x13: {  	p0 =	sne.s32 s9, $0x1;
	s9 =	sadd.s32 $0xFFFFFFFF, s9;
	[sflag:s4] =	ssyncadd.s32 $0xFFFFF800  }
0x14: {  	[tilespmem:s3], [sflag:$0x2] =	stream.linear.gather [hbm4b:s5+s3], $0x20, $0x38;
	[tilespmem:$0x820] =	vst v63  }
0x15: {  	_ =	swait.ge [sflag:s4], $0x20  }
0x16: {  	[sflag:s4] =	ssyncset.done $0x0  }
0x17: {  	[sflag:s4] =	ssyncadd.s32 $0xFFFFFFE0  }
0x18: {  	[tilespmem:s6], [sflag:$0x1] =	stream.indirect.gather [hbm4b:s2+s6], $0x40, s3, s6, $0xb8;
	[tilespmem:$0x820] =	vst v63  }
0x19: {  	_ =	swait.ge [sflag:s7], $0x800  }
.Ltmp1:
0x1a: {  	[sflag:s7] =	ssyncset.done $0x0;
	(pc) =	sbr.rel @p0 .LBB2_1-.Ltmp1, $4  }
0x1b: {  	[sflag:s7] =	ssyncadd.s32 $0xFFFFF800  }
0x1c: {  	[hbm4b:s8+s3] =	stream.linear.scatter [tilespmem:s6], [sflag:$0x2], $0x800, $0x38;
	[tilespmem:$0x820] =	vst v63  }
0x1d: {  	_ =	swait.ge [sflag:s4], $0x800  }
0x1e: {  	[sflag:s4] =	ssyncset.done $0x0  }
.LBB2_2:
0x1f: {  	[sflag:s4] =	ssyncadd.s32 $0xFFFFF800  }
0x20: {  	_ =	sfence.sel $0x180000  }
0x21: {  	[bflag:$0x0] =	sbarrier.arrive $0xFFFF  }
0x22: {  	p0 =	sne.s32 s0, $0x0;
	_ =	strace $0x90000047  }
0x23: {  	s0 =	sadd.s32 @!p0 $0x100000, s1;
	[bflag:$0x2] =	sbarrier.arrive $0xFFFF  }
0x24: {  	[sflag:s0] =	ssyncadd.tile.s32 @!p0 $0x1;
	_ =	shalt  }
.Lfunc_end2:
_tile_overlayer_lowered:
.L_overlay_start_2:
0x25: {  	(tag) =	ssettag $0x2  }
0x26: {  	s0 =	rddreg [dreg:$0x0];
	s2 =	stileid.u32  }
0x27: {  	s1 =	rddreg [dreg:$0x1];
	p0 =	sne.s32 s2, $0x0  }
0x28: {  	s3 =	rddreg [dreg:$0x2];
	[bflag:$0x3] =	sbarrier.arrive $0xFFFF;
	s2 =	simm.s32 @!p0 $0x1C02  }
0x29: {  	[timem:s3], [sflag:s2] =	dma.local @!p0 [hbm:s0], s1  }
0x2a: {  	s0 =	simm.s32 @!p0 $0x2  }
0x2b: {  	_ =	swait.ge @!p0 [sflag:s0], s1  }
0x2c: {  	s1 =	ssub.s32 @!p0 $0x0, s1;
	[sflag:s0] =	ssyncset.done @!p0 $0x0  }
0x2d: {  	[sflag:s0] =	ssyncadd.s32 @!p0 s1  }
0x2e: {  	[bflag:$0x3] =	sbarrier.arrive $0xFFFF  }
0x2f: {  	_ =	shalt  }

</sc_bundles>
